<compile_context>
chip_gen: v7x
topology: tpu7x:2x2x1
jax: 0.10.2.dev20260603
libtpu: 0.0.44.dev20260713+nightly
codegen_flags: <defaults>
</compile_context>

<pallas_src>
import jax
import jax.numpy as jnp
from jax import lax
from jax.experimental import pallas as pl
from jax.experimental.pallas import tpu as pltpu
from jax.experimental.pallas import tpu_sc as plsc

N = 10000
E = 160000
D = 256
P = 5
NP = N * P
L = 16
NC, NS = 2, 16
NW = NC * NS

PW = 1568
PW_TAIL = NP - 31 * PW
FB = 112
ORG_ROWS = 624
ORG_CH = 208
EW = 4992

_STEPS = (8192, 4096, 2048, 1024, 512, 256, 128, 64, 32, 16, 8, 4, 2, 1)


GPAD = 12288


def _body(orgv, orge, pm, genq, outt, oute,
          pmv, goffs, sidx, esrc, edst, estg, zbuf, gbuf, sem, wsem):
    c = lax.axis_index("c")
    s = lax.axis_index("s")
    w = s * NC + c
    iota = lax.iota(jnp.int32, L)
    zrow16 = jnp.zeros((L,), jnp.float32)

    import contextlib
    ns = jax.named_scope
    _sc1 = ns("ph_orgcopy"); _sc1.__enter__()
    r0 = w * ORG_ROWS
    for h in range(0, ORG_ROWS, ORG_CH):
        pltpu.sync_copy(orgv.at[pl.ds(r0 + h, ORG_CH)], gbuf.at[pl.ds(0, ORG_CH)])
        pltpu.sync_copy(gbuf.at[pl.ds(0, ORG_CH)], outt.at[pl.ds(r0 + h, ORG_CH)])

    @pl.when(w == 0)
    def _():
        pltpu.sync_copy(orgv.at[pl.ds(NW * ORG_ROWS, 32)], gbuf.at[pl.ds(0, 32)])
        pltpu.sync_copy(gbuf.at[pl.ds(0, 32)], outt.at[pl.ds(NW * ORG_ROWS, 32)])

    _sc1.__exit__(None,None,None); _sc2 = ns("ph_edgecopy"); _sc2.__enter__()
    e0 = w * EW
    for r in (0, 1):
        pltpu.sync_copy(orge.at[r, pl.ds(e0, EW)], estg)
        pltpu.sync_copy(estg, oute.at[r, pl.ds(e0, EW)])

    @pl.when(w == 0)
    def _():
        for r in (0, 1):
            pltpu.sync_copy(orge.at[r, pl.ds(NW * EW, 256)], estg.at[pl.ds(0, 256)])
            pltpu.sync_copy(estg.at[pl.ds(0, 256)], oute.at[r, pl.ds(NW * EW, 256)])

    _sc2.__exit__(None,None,None); _sc3 = ns("ph_passa"); _sc3.__enter__()
    pltpu.sync_copy(pm, pmv)

    def pass_a(v, carry):
        x = pmv[pl.ds(v * L, L)]
        t = x.astype(jnp.int32)
        f = x - t.astype(jnp.float32)
        up = (f > 0.5) | ((f == 0.5) & (lax.rem(t, 2) != 0))
        k = jnp.clip(t + jnp.where(up, jnp.int32(1), jnp.int32(0)), 0, P)
        inc = plsc.cumsum(k)
        goffs[pl.ds(v * L, L)] = (inc - k) + carry
        return carry + inc[15]

    S = lax.fori_loop(0, N // L, pass_a, jnp.int32(0))

    padvec = jnp.full((L,), jnp.int32(2147483647))

    def pad_f(v, _):
        goffs[pl.ds(N + v * L, L)] = padvec
        return 0

    lax.fori_loop(0, (GPAD - N) // L, pad_f, 0)

    _sc3.__exit__(None,None,None); _sc4 = ns("ph_zero"); _sc4.__enter__()
    zcols = 128 // L

    def zero_row(ref, r):
        row = ref.at[r]
        for cc in range(zcols):
            row[pl.ds(cc * L, L)] = zrow16

    def zr_plain(r, _):
        zero_row(zbuf, r)
        return 0

    lax.fori_loop(0, 2 * FB, zr_plain, 0)

    _sc4.__exit__(None,None,None)

    NBF = NP // FB
    BREM = NP - NBF * FB
    NBT = (NBF + 1 + NW - 1) // NW

    def search_batch(jj, bi, bs):
        nvb = bs // L
        base = jj * (2 * FB)
        pstart = bi * FB

        def search_one(v, _):
            pvec = pstart + v * L + iota
            c0 = jnp.zeros((L,), jnp.int32)
            for step in _STEPS:
                g = plsc.load_gather(goffs, [c0 + (step - 1)])
                c0 = jnp.where(g <= pvec, c0 + step, c0)
            i = c0 - 1
            gi = plsc.load_gather(goffs, [i])
            j = pvec - gi
            valid = pvec < S
            m0 = ((i >> 3) * 10 + 2 * j) * 8 + (i & 7)
            m0 = jnp.where(valid, m0, 0)
            slot0 = base + v * 32 + (iota >> 3) * 16 + (iota & 7)
            plsc.store_scatter(sidx, [slot0], m0)
            plsc.store_scatter(sidx, [slot0 + 8], jnp.where(valid, m0 + 8, 0))
            ival = jnp.where(valid, i, -1)
            nval = jnp.where(valid, N + pvec, -1)
            ev = base + v * (2 * L) + iota * 2
            plsc.store_scatter(esrc, [ev], ival)
            plsc.store_scatter(esrc, [ev + 1], nval)
            plsc.store_scatter(edst, [ev], nval)
            plsc.store_scatter(edst, [ev + 1], ival)
            return 0

        lax.fori_loop(0, nvb, search_one, 0)

    def do_batch(jj, bi, bs):
        search_batch(jj, bi, bs)
        base = jj * (2 * FB)
        pstart = bi * FB
        pltpu.async_copy(esrc.at[pl.ds(base, 2 * bs)],
                         oute.at[0, pl.ds(E + 2 * pstart, 2 * bs)], wsem)
        pltpu.async_copy(edst.at[pl.ds(base, 2 * bs)],
                         oute.at[1, pl.ds(E + 2 * pstart, 2 * bs)], wsem)
        vb = jnp.clip(S - pstart, 0, bs)

        def gpath():
            cp0 = pltpu.async_copy(genq.at[sidx.at[pl.ds(base, bs)]],
                                   gbuf.at[pl.ds(0, bs)], sem)
            cp1 = pltpu.async_copy(genq.at[sidx.at[pl.ds(base + bs, bs)]],
                                   gbuf.at[pl.ds(bs, bs)], sem)
            cp0.wait()
            cp1.wait()

            @pl.when(vb < bs)
            def _():
                def zr(r, _):
                    p_r = pstart + (r >> 4) * 8 + (r & 7)

                    @pl.when(p_r >= S)
                    def _():
                        zero_row(gbuf, r)
                    return 0
                lax.fori_loop(0, 2 * bs, zr, 0)

            pltpu.sync_copy(gbuf.at[pl.ds(0, 2 * bs)],
                            outt.at[pl.ds(2 * N + 2 * pstart, 2 * bs)])

        def zpath():
            pltpu.async_copy(zbuf.at[pl.ds(0, 2 * bs)],
                             outt.at[pl.ds(2 * N + 2 * pstart, 2 * bs)],
                             wsem)

        lax.cond(vb > 0, gpath, zpath)

    def drain_batch(jj, bi, bs):
        base = jj * (2 * FB)
        pstart = bi * FB
        pltpu.make_async_copy(esrc.at[pl.ds(base, 2 * bs)],
                              oute.at[0, pl.ds(E + 2 * pstart, 2 * bs)],
                              wsem).wait()
        pltpu.make_async_copy(edst.at[pl.ds(base, 2 * bs)],
                              oute.at[1, pl.ds(E + 2 * pstart, 2 * bs)],
                              wsem).wait()
        vb = jnp.clip(S - pstart, 0, bs)

        @pl.when(vb == 0)
        def _():
            pltpu.make_async_copy(
                zbuf.at[pl.ds(0, 2 * bs)],
                outt.at[pl.ds(2 * N + 2 * pstart, 2 * bs)], wsem).wait()

    def for_each_batch(fn):
        def body(jj, _):
            bi = w + NW * jj
            lax.cond(bi < NBF,
                     lambda: fn(jj, bi, FB),
                     lambda: lax.cond(bi == NBF,
                                      lambda: fn(jj, bi, BREM),
                                      lambda: None))
            return 0
        lax.fori_loop(0, NBT, body, 0)

    with ns("ph_batches"):
        for_each_batch(do_batch)
    with ns("ph_drain"):
        for_each_batch(drain_batch)


_mesh = plsc.VectorSubcoreMesh(core_axis_name="c", subcore_axis_name="s",
                               num_cores=NC, num_subcores=NS)

_sc_call = pl.kernel(
    _body,
    out_type=[
        jax.ShapeDtypeStruct((2 * (N + NP), 128), jnp.float32),
        jax.ShapeDtypeStruct((2, E + 2 * NP), jnp.int32),
    ],
    mesh=_mesh,
    scratch_types=[
        pltpu.VMEM((N,), jnp.float32),
        pltpu.VMEM((GPAD,), jnp.int32),
        pltpu.VMEM((2 * PW,), jnp.int32),
        pltpu.VMEM((2 * PW,), jnp.int32),
        pltpu.VMEM((2 * PW,), jnp.int32),
        pltpu.VMEM((EW,), jnp.int32),
        pltpu.VMEM((2 * FB, 128), jnp.float32),
        pltpu.VMEM((2 * FB, 128), jnp.float32),
        pltpu.SemaphoreType.DMA,
        pltpu.SemaphoreType.DMA,
    ],
    compiler_params=pltpu.CompilerParams(use_tc_tiling_on_sc=False,
                                         needs_layout_passes=False),
)


@jax.jit
def kernel(org_feats, org_edges, pred_missing, gen_feats):
    orgv = (org_feats.reshape(N // 8, 8, D // 128, 128)
            .transpose(0, 2, 1, 3).reshape(2 * N, 128))
    genq = (gen_feats.reshape(N // 8, 8, (P * D) // 128, 128)
            .transpose(0, 2, 1, 3).reshape(2 * NP, 128))
    outt, fill_edges = _sc_call(orgv, org_edges, pred_missing, genq)
    fill_feats = (outt.reshape((N + NP) // 8, 2, 8, 128)
                  .transpose(0, 2, 1, 3).reshape(N + NP, D))
    return (fill_feats, fill_edges)

# --- scband reference (transcript-rebuilt; emitter-appended) ---
"""Pipeline reference for scband-mend-graph-18047452578645 (READ-ONLY COPY).

The authoritative reference and input builder live on the scoring server;
editing this copy changes nothing except your own understanding.
"""

import jax, jax.numpy as jnp
import numpy as np

N = 10000   # node_len
E = 160000  # num original edges
D = 256     # feat_shape
P = 5       # num_pred

def setup_inputs(seed: int = 0) -> dict:
    key = jax.random.key(seed)
    k1, k2, k3, k4 = jax.random.split(key, 4)
    org_feats = jax.random.normal(k1, (N, D), dtype=jnp.float32)
    org_edges = jax.random.randint(k2, (2, E), 0, N, dtype=jnp.int32)
    pred_missing = jax.random.uniform(k3, (N,), dtype=jnp.float32)
    gen_feats = jax.random.normal(k4, (N, P * D), dtype=jnp.float32)
    return {"org_feats": org_feats, "org_edges": org_edges,
            "pred_missing": pred_missing, "gen_feats": gen_feats}

def reference(org_feats, org_edges, pred_missing, gen_feats):
    # Faithful static-shape translation of MendGraph.mend_graph:
    # node_ids defaults to range(len(x)); max_node_id = max(node_ids)+1.
    x = org_feats
    node_ids = jnp.arange(N, dtype=jnp.int32)
    max_node_id = jnp.max(node_ids) + 1
    # predict_missing_nodes = clip(round(pred_missing), 0, num_pred)
    k = jnp.clip(jnp.round(pred_missing), 0, P).astype(jnp.int32)  # [N]
    pf = gen_feats.reshape(N, P, D)
    # compact placement: node i's j-th generated node lands at offsets[i]+j
    offsets = jnp.cumsum(k) - k                      # exclusive prefix sum [N]
    j = jnp.arange(P, dtype=jnp.int32)
    valid = j[None, :] < k[:, None]                  # [N, P]
    pos = offsets[:, None] + j[None, :]              # [N, P]
    total = N * P
    flat_pos = jnp.where(valid, pos, total).reshape(-1)  # invalid -> OOB, dropped
    new_x = jnp.zeros((total, D), dtype=x.dtype).at[flat_pos].set(
        pf.reshape(total, D), mode='drop')
    fill_feats = jnp.concatenate([x, new_x], axis=0)     # [N + N*P, D]
    # new edges: for each valid (i, j): edges[0]+=[node_ids[i], new_id];
    #            edges[1]+=[new_id, node_ids[i]]
    new_node_id = max_node_id + pos                      # [N, P]
    ids_b = jnp.broadcast_to(node_ids[:, None], (N, P))
    src_new = jnp.stack([ids_b, new_node_id], axis=-1).reshape(-1)   # [2*N*P]
    dst_new = jnp.stack([new_node_id, ids_b], axis=-1).reshape(-1)   # [2*N*P]
    pair_pos = jnp.stack([2 * pos, 2 * pos + 1], axis=-1).reshape(-1)
    pair_valid = jnp.stack([valid, valid], axis=-1).reshape(-1)
    pair_pos = jnp.where(pair_valid, pair_pos, 2 * total)           # OOB -> drop
    src_buf = jnp.full((2 * total,), -1, dtype=jnp.int32).at[pair_pos].set(
        src_new, mode='drop')
    dst_buf = jnp.full((2 * total,), -1, dtype=jnp.int32).at[pair_pos].set(
        dst_new, mode='drop')
    new_edges = jnp.stack([src_buf, dst_buf], axis=0)
    fill_edges = jnp.concatenate([org_edges.astype(jnp.int32), new_edges], axis=1)
    # forward returns (fill_feats, fill_edges)
    return (fill_feats, fill_edges)

if __name__ == "__main__":
    import jax
    _d = setup_inputs()
    print(jax.jit(kernel)(*tuple(_d.values())))

</pallas_src>

<mosaic_0001>
#map = affine_map<(d0, d1) -> (0, 0)>
#map1 = affine_map<(d0, d1) -> (0)>
module attributes {stable_mosaic.version = 14 : i64} {
  func.func @_body(%arg0: i32, %arg1: i32, %arg2: memref<20000x128xf32, #tpu.memory_space<hbm>>, %arg3: memref<2x160000xi32, #tpu.memory_space<hbm>>, %arg4: memref<10000xf32, #tpu.memory_space<hbm>>, %arg5: memref<100000x128xf32, #tpu.memory_space<hbm>>, %arg6: memref<120000x128xf32, #tpu.memory_space<hbm>>, %arg7: memref<2x260000xi32, #tpu.memory_space<hbm>>, %arg8: memref<10000xf32, #tpu.memory_space<vmem>>, %arg9: memref<12288xi32, #tpu.memory_space<vmem>>, %arg10: memref<3136xi32, #tpu.memory_space<vmem>>, %arg11: memref<3136xi32, #tpu.memory_space<vmem>>, %arg12: memref<3136xi32, #tpu.memory_space<vmem>>, %arg13: memref<4992xi32, #tpu.memory_space<vmem>>, %arg14: memref<224x128xf32, #tpu.memory_space<vmem>>, %arg15: memref<224x128xf32, #tpu.memory_space<vmem>>, %arg16: memref<!tpu.dma_semaphore, #tpu.memory_space<semaphore_mem>>, %arg17: memref<!tpu.dma_semaphore, #tpu.memory_space<semaphore_mem>>) attributes {dimension_semantics = [#tpu.dimension_semantics<core_parallel>, #tpu.dimension_semantics<subcore_parallel>], iteration_bounds = array<i64: 2, 16>, scalar_prefetch = 0 : i64, scratch_operands = 10 : i64, tpu.core_type = #tpu.core_type<sc_vector_subcore>, window_params = [{transform_indices = #map}, {transform_indices = #map}, {transform_indices = #map1}, {transform_indices = #map}, {transform_indices = #map}, {transform_indices = #map}]} {
    %mul3A = arith.constant 2 : i32
    %mul3A_0 = arith.muli %arg1, %mul3A : i32
    %add3A = arith.addi %mul3A_0, %arg0 : i32
    %iota3A = tpu.iota {dimensions = array<i32: 0>} : vector<16xi32>
    %broadcast_in_dim3A = arith.constant 0.000000e+00 : f32
    %broadcast_in_dim3A_1 = vector.broadcast %broadcast_in_dim3A : f32 to vector<16xf32>
    "tpu.trace_start"() <{level = 10 : i32, message = "ph_orgcopy"}> : () -> ()
    %mul3A_2 = arith.constant 624 : i32
    %mul3A_3 = arith.muli %add3A, %mul3A_2 : i32
    %add3A_4 = arith.constant 0 : i32
    %add3A_5 = arith.addi %mul3A_3, %add3A_4 : i32
    "tpu.region"() ({
      %run_scoped3A_64 = tpu.sem_alloc : memref<!tpu.dma_semaphore, #tpu.memory_space<semaphore_mem>>
      %dma_start3A = arith.constant 0 : i32
      %dma_start3A_65 = arith.constant 0 : i32
      %dma_start3A_66 = tpu.memref_slice %arg15[%dma_start3A, %dma_start3A_65] : memref<224x128xf32, #tpu.memory_space<vmem>> -> memref<208x128xf32, #tpu.memory_space<vmem>>
      %dma_start3A_67 = arith.constant 0 : i32
      %dma_start3A_68 = tpu.memref_slice %arg2[%add3A_5, %dma_start3A_67] : memref<20000x128xf32, #tpu.memory_space<hbm>> -> memref<208x128xf32, #tpu.memory_space<hbm>>
      %dma_start3A_69 = arith.constant 0 : i32
      %dma_start3A_70 = arith.constant 0 : i32
      %dma_start3A_71 = tpu.memref_slice %arg15[%dma_start3A_69, %dma_start3A_70] : memref<224x128xf32, #tpu.memory_space<vmem>> -> memref<208x128xf32, #tpu.memory_space<vmem>>
      %dma_start3A_72 = arith.constant 0 : i32
      %dma_start3A_73 = tpu.memref_slice %arg2[%add3A_5, %dma_start3A_72] : memref<20000x128xf32, #tpu.memory_space<hbm>> -> memref<208x128xf32, #tpu.memory_space<hbm>>
      tpu.enqueue_dma source(%dma_start3A_73 : memref<208x128xf32, #tpu.memory_space<hbm>>) target(%dma_start3A_71 : memref<208x128xf32, #tpu.memory_space<vmem>>) target_semaphore(%run_scoped3A_64 : memref<!tpu.dma_semaphore, #tpu.memory_space<semaphore_mem>>)
      %dma_wait3A = arith.constant 0 : i32
      %dma_wait3A_74 = arith.constant 0 : i32
      %dma_wait3A_75 = tpu.memref_slice %arg15[%dma_wait3A, %dma_wait3A_74] : memref<224x128xf32, #tpu.memory_space<vmem>> -> memref<208x128xf32, #tpu.memory_space<vmem>>
      %dma_wait3A_76 = arith.constant 0 : i32
      %dma_wait3A_77 = tpu.memref_slice %arg2[%add3A_5, %dma_wait3A_76] : memref<20000x128xf32, #tpu.memory_space<hbm>> -> memref<208x128xf32, #tpu.memory_space<hbm>>
      %dma_wait3A_78 = arith.constant 0 : i32
      %dma_wait3A_79 = arith.constant 0 : i32
      %dma_wait3A_80 = tpu.memref_slice %arg15[%dma_wait3A_78, %dma_wait3A_79] : memref<224x128xf32, #tpu.memory_space<vmem>> -> memref<208x128xf32, #tpu.memory_space<vmem>>
      %dma_wait3A_81 = arith.constant 0 : i32
      %dma_wait3A_82 = tpu.memref_slice %arg2[%add3A_5, %dma_wait3A_81] : memref<20000x128xf32, #tpu.memory_space<hbm>> -> memref<208x128xf32, #tpu.memory_space<hbm>>
      tpu.wait_dma2 semaphore(%run_scoped3A_64 : memref<!tpu.dma_semaphore, #tpu.memory_space<semaphore_mem>>) src(%dma_wait3A_82 : memref<208x128xf32, #tpu.memory_space<hbm>>) dst(%dma_wait3A_80 : memref<208x128xf32, #tpu.memory_space<vmem>>)
      tpu.yield
    }) : () -> ()
    %add3A_6 = arith.constant 0 : i32
    %add3A_7 = arith.addi %mul3A_3, %add3A_6 : i32
    "tpu.region"() ({
      %run_scoped3A_64 = tpu.sem_alloc : memref<!tpu.dma_semaphore, #tpu.memory_space<semaphore_mem>>
      %dma_start3A = arith.constant 0 : i32
      %dma_start3A_65 = arith.constant 0 : i32
      %dma_start3A_66 = tpu.memref_slice %arg15[%dma_start3A, %dma_start3A_65] : memref<224x128xf32, #tpu.memory_space<vmem>> -> memref<208x128xf32, #tpu.memory_space<vmem>>
      %dma_start3A_67 = arith.constant 0 : i32
      %dma_start3A_68 = tpu.memref_slice %arg6[%add3A_7, %dma_start3A_67] : memref<120000x128xf32, #tpu.memory_space<hbm>> -> memref<208x128xf32, #tpu.memory_space<hbm>>
      %dma_start3A_69 = arith.constant 0 : i32
      %dma_start3A_70 = tpu.memref_slice %arg6[%add3A_7, %dma_start3A_69] : memref<120000x128xf32, #tpu.memory_space<hbm>> -> memref<208x128xf32, #tpu.memory_space<hbm>>
      %dma_start3A_71 = arith.constant 0 : i32
      %dma_start3A_72 = arith.constant 0 : i32
      %dma_start3A_73 = tpu.memref_slice %arg15[%dma_start3A_71, %dma_start3A_72] : memref<224x128xf32, #tpu.memory_space<vmem>> -> memref<208x128xf32, #tpu.memory_space<vmem>>
      tpu.enqueue_dma source(%dma_start3A_73 : memref<208x128xf32, #tpu.memory_space<vmem>>) target(%dma_start3A_70 : memref<208x128xf32, #tpu.memory_space<hbm>>) target_semaphore(%run_scoped3A_64 : memref<!tpu.dma_semaphore, #tpu.memory_space<semaphore_mem>>)
      %dma_wait3A = arith.constant 0 : i32
      %dma_wait3A_74 = arith.constant 0 : i32
      %dma_wait3A_75 = tpu.memref_slice %arg15[%dma_wait3A, %dma_wait3A_74] : memref<224x128xf32, #tpu.memory_space<vmem>> -> memref<208x128xf32, #tpu.memory_space<vmem>>
      %dma_wait3A_76 = arith.constant 0 : i32
      %dma_wait3A_77 = tpu.memref_slice %arg6[%add3A_7, %dma_wait3A_76] : memref<120000x128xf32, #tpu.memory_space<hbm>> -> memref<208x128xf32, #tpu.memory_space<hbm>>
      %dma_wait3A_78 = arith.constant 0 : i32
      %dma_wait3A_79 = tpu.memref_slice %arg6[%add3A_7, %dma_wait3A_78] : memref<120000x128xf32, #tpu.memory_space<hbm>> -> memref<208x128xf32, #tpu.memory_space<hbm>>
      %dma_wait3A_80 = arith.constant 0 : i32
      %dma_wait3A_81 = arith.constant 0 : i32
      %dma_wait3A_82 = tpu.memref_slice %arg15[%dma_wait3A_80, %dma_wait3A_81] : memref<224x128xf32, #tpu.memory_space<vmem>> -> memref<208x128xf32, #tpu.memory_space<vmem>>
      tpu.wait_dma2 semaphore(%run_scoped3A_64 : memref<!tpu.dma_semaphore, #tpu.memory_space<semaphore_mem>>) src(%dma_wait3A_82 : memref<208x128xf32, #tpu.memory_space<vmem>>) dst(%dma_wait3A_79 : memref<208x128xf32, #tpu.memory_space<hbm>>)
      tpu.yield
    }) : () -> ()
    %add3A_8 = arith.constant 208 : i32
    %add3A_9 = arith.addi %mul3A_3, %add3A_8 : i32
    "tpu.region"() ({
      %run_scoped3A_64 = tpu.sem_alloc : memref<!tpu.dma_semaphore, #tpu.memory_space<semaphore_mem>>
      %dma_start3A = arith.constant 0 : i32
      %dma_start3A_65 = arith.constant 0 : i32
      %dma_start3A_66 = tpu.memref_slice %arg15[%dma_start3A, %dma_start3A_65] : memref<224x128xf32, #tpu.memory_space<vmem>> -> memref<208x128xf32, #tpu.memory_space<vmem>>
      %dma_start3A_67 = arith.constant 0 : i32
      %dma_start3A_68 = tpu.memref_slice %arg2[%add3A_9, %dma_start3A_67] : memref<20000x128xf32, #tpu.memory_space<hbm>> -> memref<208x128xf32, #tpu.memory_space<hbm>>
      %dma_start3A_69 = arith.constant 0 : i32
      %dma_start3A_70 = arith.constant 0 : i32
      %dma_start3A_71 = tpu.memref_slice %arg15[%dma_start3A_69, %dma_start3A_70] : memref<224x128xf32, #tpu.memory_space<vmem>> -> memref<208x128xf32, #tpu.memory_space<vmem>>
      %dma_start3A_72 = arith.constant 0 : i32
      %dma_start3A_73 = tpu.memref_slice %arg2[%add3A_9, %dma_start3A_72] : memref<20000x128xf32, #tpu.memory_space<hbm>> -> memref<208x128xf32, #tpu.memory_space<hbm>>
      tpu.enqueue_dma source(%dma_start3A_73 : memref<208x128xf32, #tpu.memory_space<hbm>>) target(%dma_start3A_71 : memref<208x128xf32, #tpu.memory_space<vmem>>) target_semaphore(%run_scoped3A_64 : memref<!tpu.dma_semaphore, #tpu.memory_space<semaphore_mem>>)
      %dma_wait3A = arith.constant 0 : i32
      %dma_wait3A_74 = arith.constant 0 : i32
      %dma_wait3A_75 = tpu.memref_slice %arg15[%dma_wait3A, %dma_wait3A_74] : memref<224x128xf32, #tpu.memory_space<vmem>> -> memref<208x128xf32, #tpu.memory_space<vmem>>
      %dma_wait3A_76 = arith.constant 0 : i32
      %dma_wait3A_77 = tpu.memref_slice %arg2[%add3A_9, %dma_wait3A_76] : memref<20000x128xf32, #tpu.memory_space<hbm>> -> memref<208x128xf32, #tpu.memory_space<hbm>>
      %dma_wait3A_78 = arith.constant 0 : i32
      %dma_wait3A_79 = arith.constant 0 : i32
      %dma_wait3A_80 = tpu.memref_slice %arg15[%dma_wait3A_78, %dma_wait3A_79] : memref<224x128xf32, #tpu.memory_space<vmem>> -> memref<208x128xf32, #tpu.memory_space<vmem>>
      %dma_wait3A_81 = arith.constant 0 : i32
      %dma_wait3A_82 = tpu.memref_slice %arg2[%add3A_9, %dma_wait3A_81] : memref<20000x128xf32, #tpu.memory_space<hbm>> -> memref<208x128xf32, #tpu.memory_space<hbm>>
      tpu.wait_dma2 semaphore(%run_scoped3A_64 : memref<!tpu.dma_semaphore, #tpu.memory_space<semaphore_mem>>) src(%dma_wait3A_82 : memref<208x128xf32, #tpu.memory_space<hbm>>) dst(%dma_wait3A_80 : memref<208x128xf32, #tpu.memory_space<vmem>>)
      tpu.yield
    }) : () -> ()
    %add3A_10 = arith.constant 208 : i32
    %add3A_11 = arith.addi %mul3A_3, %add3A_10 : i32
    "tpu.region"() ({
      %run_scoped3A_64 = tpu.sem_alloc : memref<!tpu.dma_semaphore, #tpu.memory_space<semaphore_mem>>
      %dma_start3A = arith.constant 0 : i32
      %dma_start3A_65 = arith.constant 0 : i32
      %dma_start3A_66 = tpu.memref_slice %arg15[%dma_start3A, %dma_start3A_65] : memref<224x128xf32, #tpu.memory_space<vmem>> -> memref<208x128xf32, #tpu.memory_space<vmem>>
      %dma_start3A_67 = arith.constant 0 : i32
      %dma_start3A_68 = tpu.memref_slice %arg6[%add3A_11, %dma_start3A_67] : memref<120000x128xf32, #tpu.memory_space<hbm>> -> memref<208x128xf32, #tpu.memory_space<hbm>>
      %dma_start3A_69 = arith.constant 0 : i32
      %dma_start3A_70 = tpu.memref_slice %arg6[%add3A_11, %dma_start3A_69] : memref<120000x128xf32, #tpu.memory_space<hbm>> -> memref<208x128xf32, #tpu.memory_space<hbm>>
      %dma_start3A_71 = arith.constant 0 : i32
      %dma_start3A_72 = arith.constant 0 : i32
      %dma_start3A_73 = tpu.memref_slice %arg15[%dma_start3A_71, %dma_start3A_72] : memref<224x128xf32, #tpu.memory_space<vmem>> -> memref<208x128xf32, #tpu.memory_space<vmem>>
      tpu.enqueue_dma source(%dma_start3A_73 : memref<208x128xf32, #tpu.memory_space<vmem>>) target(%dma_start3A_70 : memref<208x128xf32, #tpu.memory_space<hbm>>) target_semaphore(%run_scoped3A_64 : memref<!tpu.dma_semaphore, #tpu.memory_space<semaphore_mem>>)
      %dma_wait3A = arith.constant 0 : i32
      %dma_wait3A_74 = arith.constant 0 : i32
      %dma_wait3A_75 = tpu.memref_slice %arg15[%dma_wait3A, %dma_wait3A_74] : memref<224x128xf32, #tpu.memory_space<vmem>> -> memref<208x128xf32, #tpu.memory_space<vmem>>
      %dma_wait3A_76 = arith.constant 0 : i32
      %dma_wait3A_77 = tpu.memref_slice %arg6[%add3A_11, %dma_wait3A_76] : memref<120000x128xf32, #tpu.memory_space<hbm>> -> memref<208x128xf32, #tpu.memory_space<hbm>>
      %dma_wait3A_78 = arith.constant 0 : i32
      %dma_wait3A_79 = tpu.memref_slice %arg6[%add3A_11, %dma_wait3A_78] : memref<120000x128xf32, #tpu.memory_space<hbm>> -> memref<208x128xf32, #tpu.memory_space<hbm>>
      %dma_wait3A_80 = arith.constant 0 : i32
      %dma_wait3A_81 = arith.constant 0 : i32
      %dma_wait3A_82 = tpu.memref_slice %arg15[%dma_wait3A_80, %dma_wait3A_81] : memref<224x128xf32, #tpu.memory_space<vmem>> -> memref<208x128xf32, #tpu.memory_space<vmem>>
      tpu.wait_dma2 semaphore(%run_scoped3A_64 : memref<!tpu.dma_semaphore, #tpu.memory_space<semaphore_mem>>) src(%dma_wait3A_82 : memref<208x128xf32, #tpu.memory_space<vmem>>) dst(%dma_wait3A_79 : memref<208x128xf32, #tpu.memory_space<hbm>>)
      tpu.yield
    }) : () -> ()
    %add3A_12 = arith.constant 416 : i32
    %add3A_13 = arith.addi %mul3A_3, %add3A_12 : i32
    "tpu.region"() ({
      %run_scoped3A_64 = tpu.sem_alloc : memref<!tpu.dma_semaphore, #tpu.memory_space<semaphore_mem>>
      %dma_start3A = arith.constant 0 : i32
      %dma_start3A_65 = arith.constant 0 : i32
      %dma_start3A_66 = tpu.memref_slice %arg15[%dma_start3A, %dma_start3A_65] : memref<224x128xf32, #tpu.memory_space<vmem>> -> memref<208x128xf32, #tpu.memory_space<vmem>>
      %dma_start3A_67 = arith.constant 0 : i32
      %dma_start3A_68 = tpu.memref_slice %arg2[%add3A_13, %dma_start3A_67] : memref<20000x128xf32, #tpu.memory_space<hbm>> -> memref<208x128xf32, #tpu.memory_space<hbm>>
      %dma_start3A_69 = arith.constant 0 : i32
      %dma_start3A_70 = arith.constant 0 : i32
      %dma_start3A_71 = tpu.memref_slice %arg15[%dma_start3A_69, %dma_start3A_70] : memref<224x128xf32, #tpu.memory_space<vmem>> -> memref<208x128xf32, #tpu.memory_space<vmem>>
      %dma_start3A_72 = arith.constant 0 : i32
      %dma_start3A_73 = tpu.memref_slice %arg2[%add3A_13, %dma_start3A_72] : memref<20000x128xf32, #tpu.memory_space<hbm>> -> memref<208x128xf32, #tpu.memory_space<hbm>>
      tpu.enqueue_dma source(%dma_start3A_73 : memref<208x128xf32, #tpu.memory_space<hbm>>) target(%dma_start3A_71 : memref<208x128xf32, #tpu.memory_space<vmem>>) target_semaphore(%run_scoped3A_64 : memref<!tpu.dma_semaphore, #tpu.memory_space<semaphore_mem>>)
      %dma_wait3A = arith.constant 0 : i32
      %dma_wait3A_74 = arith.constant 0 : i32
      %dma_wait3A_75 = tpu.memref_slice %arg15[%dma_wait3A, %dma_wait3A_74] : memref<224x128xf32, #tpu.memory_space<vmem>> -> memref<208x128xf32, #tpu.memory_space<vmem>>
      %dma_wait3A_76 = arith.constant 0 : i32
      %dma_wait3A_77 = tpu.memref_slice %arg2[%add3A_13, %dma_wait3A_76] : memref<20000x128xf32, #tpu.memory_space<hbm>> -> memref<208x128xf32, #tpu.memory_space<hbm>>
      %dma_wait3A_78 = arith.constant 0 : i32
      %dma_wait3A_79 = arith.constant 0 : i32
      %dma_wait3A_80 = tpu.memref_slice %arg15[%dma_wait3A_78, %dma_wait3A_79] : memref<224x128xf32, #tpu.memory_space<vmem>> -> memref<208x128xf32, #tpu.memory_space<vmem>>
      %dma_wait3A_81 = arith.constant 0 : i32
      %dma_wait3A_82 = tpu.memref_slice %arg2[%add3A_13, %dma_wait3A_81] : memref<20000x128xf32, #tpu.memory_space<hbm>> -> memref<208x128xf32, #tpu.memory_space<hbm>>
      tpu.wait_dma2 semaphore(%run_scoped3A_64 : memref<!tpu.dma_semaphore, #tpu.memory_space<semaphore_mem>>) src(%dma_wait3A_82 : memref<208x128xf32, #tpu.memory_space<hbm>>) dst(%dma_wait3A_80 : memref<208x128xf32, #tpu.memory_space<vmem>>)
      tpu.yield
    }) : () -> ()
    %add3A_14 = arith.constant 416 : i32
    %add3A_15 = arith.addi %mul3A_3, %add3A_14 : i32
    "tpu.region"() ({
      %run_scoped3A_64 = tpu.sem_alloc : memref<!tpu.dma_semaphore, #tpu.memory_space<semaphore_mem>>
      %dma_start3A = arith.constant 0 : i32
      %dma_start3A_65 = arith.constant 0 : i32
      %dma_start3A_66 = tpu.memref_slice %arg15[%dma_start3A, %dma_start3A_65] : memref<224x128xf32, #tpu.memory_space<vmem>> -> memref<208x128xf32, #tpu.memory_space<vmem>>
      %dma_start3A_67 = arith.constant 0 : i32
      %dma_start3A_68 = tpu.memref_slice %arg6[%add3A_15, %dma_start3A_67] : memref<120000x128xf32, #tpu.memory_space<hbm>> -> memref<208x128xf32, #tpu.memory_space<hbm>>
      %dma_start3A_69 = arith.constant 0 : i32
      %dma_start3A_70 = tpu.memref_slice %arg6[%add3A_15, %dma_start3A_69] : memref<120000x128xf32, #tpu.memory_space<hbm>> -> memref<208x128xf32, #tpu.memory_space<hbm>>
      %dma_start3A_71 = arith.constant 0 : i32
      %dma_start3A_72 = arith.constant 0 : i32
      %dma_start3A_73 = tpu.memref_slice %arg15[%dma_start3A_71, %dma_start3A_72] : memref<224x128xf32, #tpu.memory_space<vmem>> -> memref<208x128xf32, #tpu.memory_space<vmem>>
      tpu.enqueue_dma source(%dma_start3A_73 : memref<208x128xf32, #tpu.memory_space<vmem>>) target(%dma_start3A_70 : memref<208x128xf32, #tpu.memory_space<hbm>>) target_semaphore(%run_scoped3A_64 : memref<!tpu.dma_semaphore, #tpu.memory_space<semaphore_mem>>)
      %dma_wait3A = arith.constant 0 : i32
      %dma_wait3A_74 = arith.constant 0 : i32
      %dma_wait3A_75 = tpu.memref_slice %arg15[%dma_wait3A, %dma_wait3A_74] : memref<224x128xf32, #tpu.memory_space<vmem>> -> memref<208x128xf32, #tpu.memory_space<vmem>>
      %dma_wait3A_76 = arith.constant 0 : i32
      %dma_wait3A_77 = tpu.memref_slice %arg6[%add3A_15, %dma_wait3A_76] : memref<120000x128xf32, #tpu.memory_space<hbm>> -> memref<208x128xf32, #tpu.memory_space<hbm>>
      %dma_wait3A_78 = arith.constant 0 : i32
      %dma_wait3A_79 = tpu.memref_slice %arg6[%add3A_15, %dma_wait3A_78] : memref<120000x128xf32, #tpu.memory_space<hbm>> -> memref<208x128xf32, #tpu.memory_space<hbm>>
      %dma_wait3A_80 = arith.constant 0 : i32
      %dma_wait3A_81 = arith.constant 0 : i32
      %dma_wait3A_82 = tpu.memref_slice %arg15[%dma_wait3A_80, %dma_wait3A_81] : memref<224x128xf32, #tpu.memory_space<vmem>> -> memref<208x128xf32, #tpu.memory_space<vmem>>
      tpu.wait_dma2 semaphore(%run_scoped3A_64 : memref<!tpu.dma_semaphore, #tpu.memory_space<semaphore_mem>>) src(%dma_wait3A_82 : memref<208x128xf32, #tpu.memory_space<vmem>>) dst(%dma_wait3A_79 : memref<208x128xf32, #tpu.memory_space<hbm>>)
      tpu.yield
    }) : () -> ()
    %eq3A = arith.constant 0 : i32
    %eq3A_16 = arith.cmpi eq, %add3A, %eq3A : i32
    %convert_element_type3A = arith.extui %eq3A_16 : i1 to i32
    %cond3A = arith.constant 0 : i32
    %cond3A_17 = arith.cmpi ne, %convert_element_type3A, %cond3A : i32
    scf.if %cond3A_17 {
      "tpu.region"() ({
        %run_scoped3A_64 = tpu.sem_alloc : memref<!tpu.dma_semaphore, #tpu.memory_space<semaphore_mem>>
        %dma_start3A = arith.constant 0 : i32
        %dma_start3A_65 = arith.constant 0 : i32
        %dma_start3A_66 = tpu.memref_slice %arg15[%dma_start3A, %dma_start3A_65] : memref<224x128xf32, #tpu.memory_space<vmem>> -> memref<32x128xf32, #tpu.memory_space<vmem>>
        %dma_start3A_67 = arith.constant 19968 : i32
        %dma_start3A_68 = arith.constant 0 : i32
        %dma_start3A_69 = tpu.memref_slice %arg2[%dma_start3A_67, %dma_start3A_68] : memref<20000x128xf32, #tpu.memory_space<hbm>> -> memref<32x128xf32, #tpu.memory_space<hbm>>
        %dma_start3A_70 = arith.constant 0 : i32
        %dma_start3A_71 = arith.constant 0 : i32
        %dma_start3A_72 = tpu.memref_slice %arg15[%dma_start3A_70, %dma_start3A_71] : memref<224x128xf32, #tpu.memory_space<vmem>> -> memref<32x128xf32, #tpu.memory_space<vmem>>
        %dma_start3A_73 = arith.constant 19968 : i32
        %dma_start3A_74 = arith.constant 0 : i32
        %dma_start3A_75 = tpu.memref_slice %arg2[%dma_start3A_73, %dma_start3A_74] : memref<20000x128xf32, #tpu.memory_space<hbm>> -> memref<32x128xf32, #tpu.memory_space<hbm>>
        tpu.enqueue_dma source(%dma_start3A_75 : memref<32x128xf32, #tpu.memory_space<hbm>>) target(%dma_start3A_72 : memref<32x128xf32, #tpu.memory_space<vmem>>) target_semaphore(%run_scoped3A_64 : memref<!tpu.dma_semaphore, #tpu.memory_space<semaphore_mem>>)
        %dma_wait3A = arith.constant 0 : i32
        %dma_wait3A_76 = arith.constant 0 : i32
        %dma_wait3A_77 = tpu.memref_slice %arg15[%dma_wait3A, %dma_wait3A_76] : memref<224x128xf32, #tpu.memory_space<vmem>> -> memref<32x128xf32, #tpu.memory_space<vmem>>
        %dma_wait3A_78 = arith.constant 19968 : i32
        %dma_wait3A_79 = arith.constant 0 : i32
        %dma_wait3A_80 = tpu.memref_slice %arg2[%dma_wait3A_78, %dma_wait3A_79] : memref<20000x128xf32, #tpu.memory_space<hbm>> -> memref<32x128xf32, #tpu.memory_space<hbm>>
        %dma_wait3A_81 = arith.constant 0 : i32
        %dma_wait3A_82 = arith.constant 0 : i32
        %dma_wait3A_83 = tpu.memref_slice %arg15[%dma_wait3A_81, %dma_wait3A_82] : memref<224x128xf32, #tpu.memory_space<vmem>> -> memref<32x128xf32, #tpu.memory_space<vmem>>
        %dma_wait3A_84 = arith.constant 19968 : i32
        %dma_wait3A_85 = arith.constant 0 : i32
        %dma_wait3A_86 = tpu.memref_slice %arg2[%dma_wait3A_84, %dma_wait3A_85] : memref<20000x128xf32, #tpu.memory_space<hbm>> -> memref<32x128xf32, #tpu.memory_space<hbm>>
        tpu.wait_dma2 semaphore(%run_scoped3A_64 : memref<!tpu.dma_semaphore, #tpu.memory_space<semaphore_mem>>) src(%dma_wait3A_86 : memref<32x128xf32, #tpu.memory_space<hbm>>) dst(%dma_wait3A_83 : memref<32x128xf32, #tpu.memory_space<vmem>>)
        tpu.yield
      }) : () -> ()
      "tpu.region"() ({
        %run_scoped3A_64 = tpu.sem_alloc : memref<!tpu.dma_semaphore, #tpu.memory_space<semaphore_mem>>
        %dma_start3A = arith.constant 0 : i32
        %dma_start3A_65 = arith.constant 0 : i32
        %dma_start3A_66 = tpu.memref_slice %arg15[%dma_start3A, %dma_start3A_65] : memref<224x128xf32, #tpu.memory_space<vmem>> -> memref<32x128xf32, #tpu.memory_space<vmem>>
        %dma_start3A_67 = arith.constant 19968 : i32
        %dma_start3A_68 = arith.constant 0 : i32
        %dma_start3A_69 = tpu.memref_slice %arg6[%dma_start3A_67, %dma_start3A_68] : memref<120000x128xf32, #tpu.memory_space<hbm>> -> memref<32x128xf32, #tpu.memory_space<hbm>>
        %dma_start3A_70 = arith.constant 19968 : i32
        %dma_start3A_71 = arith.constant 0 : i32
        %dma_start3A_72 = tpu.memref_slice %arg6[%dma_start3A_70, %dma_start3A_71] : memref<120000x128xf32, #tpu.memory_space<hbm>> -> memref<32x128xf32, #tpu.memory_space<hbm>>
        %dma_start3A_73 = arith.constant 0 : i32
        %dma_start3A_74 = arith.constant 0 : i32
        %dma_start3A_75 = tpu.memref_slice %arg15[%dma_start3A_73, %dma_start3A_74] : memref<224x128xf32, #tpu.memory_space<vmem>> -> memref<32x128xf32, #tpu.memory_space<vmem>>
        tpu.enqueue_dma source(%dma_start3A_75 : memref<32x128xf32, #tpu.memory_space<vmem>>) target(%dma_start3A_72 : memref<32x128xf32, #tpu.memory_space<hbm>>) target_semaphore(%run_scoped3A_64 : memref<!tpu.dma_semaphore, #tpu.memory_space<semaphore_mem>>)
        %dma_wait3A = arith.constant 0 : i32
        %dma_wait3A_76 = arith.constant 0 : i32
        %dma_wait3A_77 = tpu.memref_slice %arg15[%dma_wait3A, %dma_wait3A_76] : memref<224x128xf32, #tpu.memory_space<vmem>> -> memref<32x128xf32, #tpu.memory_space<vmem>>
        %dma_wait3A_78 = arith.constant 19968 : i32
        %dma_wait3A_79 = arith.constant 0 : i32
        %dma_wait3A_80 = tpu.memref_slice %arg6[%dma_wait3A_78, %dma_wait3A_79] : memref<120000x128xf32, #tpu.memory_space<hbm>> -> memref<32x128xf32, #tpu.memory_space<hbm>>
        %dma_wait3A_81 = arith.constant 19968 : i32
        %dma_wait3A_82 = arith.constant 0 : i32
        %dma_wait3A_83 = tpu.memref_slice %arg6[%dma_wait3A_81, %dma_wait3A_82] : memref<120000x128xf32, #tpu.memory_space<hbm>> -> memref<32x128xf32, #tpu.memory_space<hbm>>
        %dma_wait3A_84 = arith.constant 0 : i32
        %dma_wait3A_85 = arith.constant 0 : i32
        %dma_wait3A_86 = tpu.memref_slice %arg15[%dma_wait3A_84, %dma_wait3A_85] : memref<224x128xf32, #tpu.memory_space<vmem>> -> memref<32x128xf32, #tpu.memory_space<vmem>>
        tpu.wait_dma2 semaphore(%run_scoped3A_64 : memref<!tpu.dma_semaphore, #tpu.memory_space<semaphore_mem>>) src(%dma_wait3A_86 : memref<32x128xf32, #tpu.memory_space<vmem>>) dst(%dma_wait3A_83 : memref<32x128xf32, #tpu.memory_space<hbm>>)
        tpu.yield
      }) : () -> ()
    } else {
    }
    "tpu.trace_stop"() : () -> ()
    "tpu.trace_start"() <{level = 10 : i32, message = "ph_edgecopy"}> : () -> ()
    %mul3A_18 = arith.constant 4992 : i32
    %mul3A_19 = arith.muli %add3A, %mul3A_18 : i32
    %run_scoped3A = arith.constant 0 : i32
    "tpu.region"() ({
      %run_scoped3A_64 = tpu.sem_alloc : memref<!tpu.dma_semaphore, #tpu.memory_space<semaphore_mem>>
      %dma_start3A = tpu.memref_slice %arg3[%run_scoped3A, %mul3A_19] : memref<2x160000xi32, #tpu.memory_space<hbm>> -> memref<1x4992xi32, #tpu.memory_space<hbm>>
      %dma_start3A_65 = tpu.memref_squeeze %dma_start3A : memref<1x4992xi32, #tpu.memory_space<hbm>> -> memref<4992xi32, #tpu.memory_space<hbm>>
      %dma_start3A_66 = tpu.memref_slice %arg3[%run_scoped3A, %mul3A_19] : memref<2x160000xi32, #tpu.memory_space<hbm>> -> memref<1x4992xi32, #tpu.memory_space<hbm>>
      %dma_start3A_67 = tpu.memref_squeeze %dma_start3A_66 : memref<1x4992xi32, #tpu.memory_space<hbm>> -> memref<4992xi32, #tpu.memory_space<hbm>>
      tpu.enqueue_dma source(%dma_start3A_67 : memref<4992xi32, #tpu.memory_space<hbm>>) target(%arg13 : memref<4992xi32, #tpu.memory_space<vmem>>) target_semaphore(%run_scoped3A_64 : memref<!tpu.dma_semaphore, #tpu.memory_space<semaphore_mem>>)
      %dma_wait3A = tpu.memref_slice %arg3[%run_scoped3A, %mul3A_19] : memref<2x160000xi32, #tpu.memory_space<hbm>> -> memref<1x4992xi32, #tpu.memory_space<hbm>>
      %dma_wait3A_68 = tpu.memref_squeeze %dma_wait3A : memref<1x4992xi32, #tpu.memory_space<hbm>> -> memref<4992xi32, #tpu.memory_space<hbm>>
      %dma_wait3A_69 = tpu.memref_slice %arg3[%run_scoped3A, %mul3A_19] : memref<2x160000xi32, #tpu.memory_space<hbm>> -> memref<1x4992xi32, #tpu.memory_space<hbm>>
      %dma_wait3A_70 = tpu.memref_squeeze %dma_wait3A_69 : memref<1x4992xi32, #tpu.memory_space<hbm>> -> memref<4992xi32, #tpu.memory_space<hbm>>
      tpu.wait_dma2 semaphore(%run_scoped3A_64 : memref<!tpu.dma_semaphore, #tpu.memory_space<semaphore_mem>>) src(%dma_wait3A_70 : memref<4992xi32, #tpu.memory_space<hbm>>) dst(%arg13 : memref<4992xi32, #tpu.memory_space<vmem>>)
      tpu.yield
    }) : () -> ()
    %run_scoped3A_20 = arith.constant 0 : i32
    "tpu.region"() ({
      %run_scoped3A_64 = tpu.sem_alloc : memref<!tpu.dma_semaphore, #tpu.memory_space<semaphore_mem>>
      %dma_start3A = tpu.memref_slice %arg7[%run_scoped3A_20, %mul3A_19] : memref<2x260000xi32, #tpu.memory_space<hbm>> -> memref<1x4992xi32, #tpu.memory_space<hbm>>
      %dma_start3A_65 = tpu.memref_squeeze %dma_start3A : memref<1x4992xi32, #tpu.memory_space<hbm>> -> memref<4992xi32, #tpu.memory_space<hbm>>
      %dma_start3A_66 = tpu.memref_slice %arg7[%run_scoped3A_20, %mul3A_19] : memref<2x260000xi32, #tpu.memory_space<hbm>> -> memref<1x4992xi32, #tpu.memory_space<hbm>>
      %dma_start3A_67 = tpu.memref_squeeze %dma_start3A_66 : memref<1x4992xi32, #tpu.memory_space<hbm>> -> memref<4992xi32, #tpu.memory_space<hbm>>
      tpu.enqueue_dma source(%arg13 : memref<4992xi32, #tpu.memory_space<vmem>>) target(%dma_start3A_67 : memref<4992xi32, #tpu.memory_space<hbm>>) target_semaphore(%run_scoped3A_64 : memref<!tpu.dma_semaphore, #tpu.memory_space<semaphore_mem>>)
      %dma_wait3A = tpu.memref_slice %arg7[%run_scoped3A_20, %mul3A_19] : memref<2x260000xi32, #tpu.memory_space<hbm>> -> memref<1x4992xi32, #tpu.memory_space<hbm>>
      %dma_wait3A_68 = tpu.memref_squeeze %dma_wait3A : memref<1x4992xi32, #tpu.memory_space<hbm>> -> memref<4992xi32, #tpu.memory_space<hbm>>
      %dma_wait3A_69 = tpu.memref_slice %arg7[%run_scoped3A_20, %mul3A_19] : memref<2x260000xi32, #tpu.memory_space<hbm>> -> memref<1x4992xi32, #tpu.memory_space<hbm>>
      %dma_wait3A_70 = tpu.memref_squeeze %dma_wait3A_69 : memref<1x4992xi32, #tpu.memory_space<hbm>> -> memref<4992xi32, #tpu.memory_space<hbm>>
      tpu.wait_dma2 semaphore(%run_scoped3A_64 : memref<!tpu.dma_semaphore, #tpu.memory_space<semaphore_mem>>) src(%arg13 : memref<4992xi32, #tpu.memory_space<vmem>>) dst(%dma_wait3A_70 : memref<4992xi32, #tpu.memory_space<hbm>>)
      tpu.yield
    }) : () -> ()
    %run_scoped3A_21 = arith.constant 1 : i32
    "tpu.region"() ({
      %run_scoped3A_64 = tpu.sem_alloc : memref<!tpu.dma_semaphore, #tpu.memory_space<semaphore_mem>>
      %dma_start3A = tpu.memref_slice %arg3[%run_scoped3A_21, %mul3A_19] : memref<2x160000xi32, #tpu.memory_space<hbm>> -> memref<1x4992xi32, #tpu.memory_space<hbm>>
      %dma_start3A_65 = tpu.memref_squeeze %dma_start3A : memref<1x4992xi32, #tpu.memory_space<hbm>> -> memref<4992xi32, #tpu.memory_space<hbm>>
      %dma_start3A_66 = tpu.memref_slice %arg3[%run_scoped3A_21, %mul3A_19] : memref<2x160000xi32, #tpu.memory_space<hbm>> -> memref<1x4992xi32, #tpu.memory_space<hbm>>
      %dma_start3A_67 = tpu.memref_squeeze %dma_start3A_66 : memref<1x4992xi32, #tpu.memory_space<hbm>> -> memref<4992xi32, #tpu.memory_space<hbm>>
      tpu.enqueue_dma source(%dma_start3A_67 : memref<4992xi32, #tpu.memory_space<hbm>>) target(%arg13 : memref<4992xi32, #tpu.memory_space<vmem>>) target_semaphore(%run_scoped3A_64 : memref<!tpu.dma_semaphore, #tpu.memory_space<semaphore_mem>>)
      %dma_wait3A = tpu.memref_slice %arg3[%run_scoped3A_21, %mul3A_19] : memref<2x160000xi32, #tpu.memory_space<hbm>> -> memref<1x4992xi32, #tpu.memory_space<hbm>>
      %dma_wait3A_68 = tpu.memref_squeeze %dma_wait3A : memref<1x4992xi32, #tpu.memory_space<hbm>> -> memref<4992xi32, #tpu.memory_space<hbm>>
      %dma_wait3A_69 = tpu.memref_slice %arg3[%run_scoped3A_21, %mul3A_19] : memref<2x160000xi32, #tpu.memory_space<hbm>> -> memref<1x4992xi32, #tpu.memory_space<hbm>>
      %dma_wait3A_70 = tpu.memref_squeeze %dma_wait3A_69 : memref<1x4992xi32, #tpu.memory_space<hbm>> -> memref<4992xi32, #tpu.memory_space<hbm>>
      tpu.wait_dma2 semaphore(%run_scoped3A_64 : memref<!tpu.dma_semaphore, #tpu.memory_space<semaphore_mem>>) src(%dma_wait3A_70 : memref<4992xi32, #tpu.memory_space<hbm>>) dst(%arg13 : memref<4992xi32, #tpu.memory_space<vmem>>)
      tpu.yield
    }) : () -> ()
    %run_scoped3A_22 = arith.constant 1 : i32
    "tpu.region"() ({
      %run_scoped3A_64 = tpu.sem_alloc : memref<!tpu.dma_semaphore, #tpu.memory_space<semaphore_mem>>
      %dma_start3A = tpu.memref_slice %arg7[%run_scoped3A_22, %mul3A_19] : memref<2x260000xi32, #tpu.memory_space<hbm>> -> memref<1x4992xi32, #tpu.memory_space<hbm>>
      %dma_start3A_65 = tpu.memref_squeeze %dma_start3A : memref<1x4992xi32, #tpu.memory_space<hbm>> -> memref<4992xi32, #tpu.memory_space<hbm>>
      %dma_start3A_66 = tpu.memref_slice %arg7[%run_scoped3A_22, %mul3A_19] : memref<2x260000xi32, #tpu.memory_space<hbm>> -> memref<1x4992xi32, #tpu.memory_space<hbm>>
      %dma_start3A_67 = tpu.memref_squeeze %dma_start3A_66 : memref<1x4992xi32, #tpu.memory_space<hbm>> -> memref<4992xi32, #tpu.memory_space<hbm>>
      tpu.enqueue_dma source(%arg13 : memref<4992xi32, #tpu.memory_space<vmem>>) target(%dma_start3A_67 : memref<4992xi32, #tpu.memory_space<hbm>>) target_semaphore(%run_scoped3A_64 : memref<!tpu.dma_semaphore, #tpu.memory_space<semaphore_mem>>)
      %dma_wait3A = tpu.memref_slice %arg7[%run_scoped3A_22, %mul3A_19] : memref<2x260000xi32, #tpu.memory_space<hbm>> -> memref<1x4992xi32, #tpu.memory_space<hbm>>
      %dma_wait3A_68 = tpu.memref_squeeze %dma_wait3A : memref<1x4992xi32, #tpu.memory_space<hbm>> -> memref<4992xi32, #tpu.memory_space<hbm>>
      %dma_wait3A_69 = tpu.memref_slice %arg7[%run_scoped3A_22, %mul3A_19] : memref<2x260000xi32, #tpu.memory_space<hbm>> -> memref<1x4992xi32, #tpu.memory_space<hbm>>
      %dma_wait3A_70 = tpu.memref_squeeze %dma_wait3A_69 : memref<1x4992xi32, #tpu.memory_space<hbm>> -> memref<4992xi32, #tpu.memory_space<hbm>>
      tpu.wait_dma2 semaphore(%run_scoped3A_64 : memref<!tpu.dma_semaphore, #tpu.memory_space<semaphore_mem>>) src(%arg13 : memref<4992xi32, #tpu.memory_space<vmem>>) dst(%dma_wait3A_70 : memref<4992xi32, #tpu.memory_space<hbm>>)
      tpu.yield
    }) : () -> ()
    %eq3A_23 = arith.constant 0 : i32
    %eq3A_24 = arith.cmpi eq, %add3A, %eq3A_23 : i32
    %convert_element_type3A_25 = arith.extui %eq3A_24 : i1 to i32
    %cond3A_26 = arith.constant 0 : i32
    %cond3A_27 = arith.cmpi ne, %convert_element_type3A_25, %cond3A_26 : i32
    scf.if %cond3A_27 {
      %run_scoped3A_64 = arith.constant 0 : i32
      "tpu.region"() ({
        %run_scoped3A_68 = tpu.sem_alloc : memref<!tpu.dma_semaphore, #tpu.memory_space<semaphore_mem>>
        %dma_start3A = arith.constant 0 : i32
        %dma_start3A_69 = tpu.memref_slice %arg13[%dma_start3A] : memref<4992xi32, #tpu.memory_space<vmem>> -> memref<256xi32, #tpu.memory_space<vmem>>
        %dma_start3A_70 = arith.constant 159744 : i32
        %dma_start3A_71 = tpu.memref_slice %arg3[%run_scoped3A_64, %dma_start3A_70] : memref<2x160000xi32, #tpu.memory_space<hbm>> -> memref<1x256xi32, #tpu.memory_space<hbm>>
        %dma_start3A_72 = tpu.memref_squeeze %dma_start3A_71 : memref<1x256xi32, #tpu.memory_space<hbm>> -> memref<256xi32, #tpu.memory_space<hbm>>
        %dma_start3A_73 = arith.constant 0 : i32
        %dma_start3A_74 = tpu.memref_slice %arg13[%dma_start3A_73] : memref<4992xi32, #tpu.memory_space<vmem>> -> memref<256xi32, #tpu.memory_space<vmem>>
        %dma_start3A_75 = arith.constant 159744 : i32
        %dma_start3A_76 = tpu.memref_slice %arg3[%run_scoped3A_64, %dma_start3A_75] : memref<2x160000xi32, #tpu.memory_space<hbm>> -> memref<1x256xi32, #tpu.memory_space<hbm>>
        %dma_start3A_77 = tpu.memref_squeeze %dma_start3A_76 : memref<1x256xi32, #tpu.memory_space<hbm>> -> memref<256xi32, #tpu.memory_space<hbm>>
        tpu.enqueue_dma source(%dma_start3A_77 : memref<256xi32, #tpu.memory_space<hbm>>) target(%dma_start3A_74 : memref<256xi32, #tpu.memory_space<vmem>>) target_semaphore(%run_scoped3A_68 : memref<!tpu.dma_semaphore, #tpu.memory_space<semaphore_mem>>)
        %dma_wait3A = arith.constant 0 : i32
        %dma_wait3A_78 = tpu.memref_slice %arg13[%dma_wait3A] : memref<4992xi32, #tpu.memory_space<vmem>> -> memref<256xi32, #tpu.memory_space<vmem>>
        %dma_wait3A_79 = arith.constant 159744 : i32
        %dma_wait3A_80 = tpu.memref_slice %arg3[%run_scoped3A_64, %dma_wait3A_79] : memref<2x160000xi32, #tpu.memory_space<hbm>> -> memref<1x256xi32, #tpu.memory_space<hbm>>
        %dma_wait3A_81 = tpu.memref_squeeze %dma_wait3A_80 : memref<1x256xi32, #tpu.memory_space<hbm>> -> memref<256xi32, #tpu.memory_space<hbm>>
        %dma_wait3A_82 = arith.constant 0 : i32
        %dma_wait3A_83 = tpu.memref_slice %arg13[%dma_wait3A_82] : memref<4992xi32, #tpu.memory_space<vmem>> -> memref<256xi32, #tpu.memory_space<vmem>>
        %dma_wait3A_84 = arith.constant 159744 : i32
        %dma_wait3A_85 = tpu.memref_slice %arg3[%run_scoped3A_64, %dma_wait3A_84] : memref<2x160000xi32, #tpu.memory_space<hbm>> -> memref<1x256xi32, #tpu.memory_space<hbm>>
        %dma_wait3A_86 = tpu.memref_squeeze %dma_wait3A_85 : memref<1x256xi32, #tpu.memory_space<hbm>> -> memref<256xi32, #tpu.memory_space<hbm>>
        tpu.wait_dma2 semaphore(%run_scoped3A_68 : memref<!tpu.dma_semaphore, #tpu.memory_space<semaphore_mem>>) src(%dma_wait3A_86 : memref<256xi32, #tpu.memory_space<hbm>>) dst(%dma_wait3A_83 : memref<256xi32, #tpu.memory_space<vmem>>)
        tpu.yield
      }) : () -> ()
      %run_scoped3A_65 = arith.constant 0 : i32
      "tpu.region"() ({
        %run_scoped3A_68 = tpu.sem_alloc : memref<!tpu.dma_semaphore, #tpu.memory_space<semaphore_mem>>
        %dma_start3A = arith.constant 0 : i32
        %dma_start3A_69 = tpu.memref_slice %arg13[%dma_start3A] : memref<4992xi32, #tpu.memory_space<vmem>> -> memref<256xi32, #tpu.memory_space<vmem>>
        %dma_start3A_70 = arith.constant 159744 : i32
        %dma_start3A_71 = tpu.memref_slice %arg7[%run_scoped3A_65, %dma_start3A_70] : memref<2x260000xi32, #tpu.memory_space<hbm>> -> memref<1x256xi32, #tpu.memory_space<hbm>>
        %dma_start3A_72 = tpu.memref_squeeze %dma_start3A_71 : memref<1x256xi32, #tpu.memory_space<hbm>> -> memref<256xi32, #tpu.memory_space<hbm>>
        %dma_start3A_73 = arith.constant 159744 : i32
        %dma_start3A_74 = tpu.memref_slice %arg7[%run_scoped3A_65, %dma_start3A_73] : memref<2x260000xi32, #tpu.memory_space<hbm>> -> memref<1x256xi32, #tpu.memory_space<hbm>>
        %dma_start3A_75 = tpu.memref_squeeze %dma_start3A_74 : memref<1x256xi32, #tpu.memory_space<hbm>> -> memref<256xi32, #tpu.memory_space<hbm>>
        %dma_start3A_76 = arith.constant 0 : i32
        %dma_start3A_77 = tpu.memref_slice %arg13[%dma_start3A_76] : memref<4992xi32, #tpu.memory_space<vmem>> -> memref<256xi32, #tpu.memory_space<vmem>>
        tpu.enqueue_dma source(%dma_start3A_77 : memref<256xi32, #tpu.memory_space<vmem>>) target(%dma_start3A_75 : memref<256xi32, #tpu.memory_space<hbm>>) target_semaphore(%run_scoped3A_68 : memref<!tpu.dma_semaphore, #tpu.memory_space<semaphore_mem>>)
        %dma_wait3A = arith.constant 0 : i32
        %dma_wait3A_78 = tpu.memref_slice %arg13[%dma_wait3A] : memref<4992xi32, #tpu.memory_space<vmem>> -> memref<256xi32, #tpu.memory_space<vmem>>
        %dma_wait3A_79 = arith.constant 159744 : i32
        %dma_wait3A_80 = tpu.memref_slice %arg7[%run_scoped3A_65, %dma_wait3A_79] : memref<2x260000xi32, #tpu.memory_space<hbm>> -> memref<1x256xi32, #tpu.memory_space<hbm>>
        %dma_wait3A_81 = tpu.memref_squeeze %dma_wait3A_80 : memref<1x256xi32, #tpu.memory_space<hbm>> -> memref<256xi32, #tpu.memory_space<hbm>>
        %dma_wait3A_82 = arith.constant 159744 : i32
        %dma_wait3A_83 = tpu.memref_slice %arg7[%run_scoped3A_65, %dma_wait3A_82] : memref<2x260000xi32, #tpu.memory_space<hbm>> -> memref<1x256xi32, #tpu.memory_space<hbm>>
        %dma_wait3A_84 = tpu.memref_squeeze %dma_wait3A_83 : memref<1x256xi32, #tpu.memory_space<hbm>> -> memref<256xi32, #tpu.memory_space<hbm>>
        %dma_wait3A_85 = arith.constant 0 : i32
        %dma_wait3A_86 = tpu.memref_slice %arg13[%dma_wait3A_85] : memref<4992xi32, #tpu.memory_space<vmem>> -> memref<256xi32, #tpu.memory_space<vmem>>
        tpu.wait_dma2 semaphore(%run_scoped3A_68 : memref<!tpu.dma_semaphore, #tpu.memory_space<semaphore_mem>>) src(%dma_wait3A_86 : memref<256xi32, #tpu.memory_space<vmem>>) dst(%dma_wait3A_84 : memref<256xi32, #tpu.memory_space<hbm>>)
        tpu.yield
      }) : () -> ()
      %run_scoped3A_66 = arith.constant 1 : i32
      "tpu.region"() ({
        %run_scoped3A_68 = tpu.sem_alloc : memref<!tpu.dma_semaphore, #tpu.memory_space<semaphore_mem>>
        %dma_start3A = arith.constant 0 : i32
        %dma_start3A_69 = tpu.memref_slice %arg13[%dma_start3A] : memref<4992xi32, #tpu.memory_space<vmem>> -> memref<256xi32, #tpu.memory_space<vmem>>
        %dma_start3A_70 = arith.constant 159744 : i32
        %dma_start3A_71 = tpu.memref_slice %arg3[%run_scoped3A_66, %dma_start3A_70] : memref<2x160000xi32, #tpu.memory_space<hbm>> -> memref<1x256xi32, #tpu.memory_space<hbm>>
        %dma_start3A_72 = tpu.memref_squeeze %dma_start3A_71 : memref<1x256xi32, #tpu.memory_space<hbm>> -> memref<256xi32, #tpu.memory_space<hbm>>
        %dma_start3A_73 = arith.constant 0 : i32
        %dma_start3A_74 = tpu.memref_slice %arg13[%dma_start3A_73] : memref<4992xi32, #tpu.memory_space<vmem>> -> memref<256xi32, #tpu.memory_space<vmem>>
        %dma_start3A_75 = arith.constant 159744 : i32
        %dma_start3A_76 = tpu.memref_slice %arg3[%run_scoped3A_66, %dma_start3A_75] : memref<2x160000xi32, #tpu.memory_space<hbm>> -> memref<1x256xi32, #tpu.memory_space<hbm>>
        %dma_start3A_77 = tpu.memref_squeeze %dma_start3A_76 : memref<1x256xi32, #tpu.memory_space<hbm>> -> memref<256xi32, #tpu.memory_space<hbm>>
        tpu.enqueue_dma source(%dma_start3A_77 : memref<256xi32, #tpu.memory_space<hbm>>) target(%dma_start3A_74 : memref<256xi32, #tpu.memory_space<vmem>>) target_semaphore(%run_scoped3A_68 : memref<!tpu.dma_semaphore, #tpu.memory_space<semaphore_mem>>)
        %dma_wait3A = arith.constant 0 : i32
        %dma_wait3A_78 = tpu.memref_slice %arg13[%dma_wait3A] : memref<4992xi32, #tpu.memory_space<vmem>> -> memref<256xi32, #tpu.memory_space<vmem>>
        %dma_wait3A_79 = arith.constant 159744 : i32
        %dma_wait3A_80 = tpu.memref_slice %arg3[%run_scoped3A_66, %dma_wait3A_79] : memref<2x160000xi32, #tpu.memory_space<hbm>> -> memref<1x256xi32, #tpu.memory_space<hbm>>
        %dma_wait3A_81 = tpu.memref_squeeze %dma_wait3A_80 : memref<1x256xi32, #tpu.memory_space<hbm>> -> memref<256xi32, #tpu.memory_space<hbm>>
        %dma_wait3A_82 = arith.constant 0 : i32
        %dma_wait3A_83 = tpu.memref_slice %arg13[%dma_wait3A_82] : memref<4992xi32, #tpu.memory_space<vmem>> -> memref<256xi32, #tpu.memory_space<vmem>>
        %dma_wait3A_84 = arith.constant 159744 : i32
        %dma_wait3A_85 = tpu.memref_slice %arg3[%run_scoped3A_66, %dma_wait3A_84] : memref<2x160000xi32, #tpu.memory_space<hbm>> -> memref<1x256xi32, #tpu.memory_space<hbm>>
        %dma_wait3A_86 = tpu.memref_squeeze %dma_wait3A_85 : memref<1x256xi32, #tpu.memory_space<hbm>> -> memref<256xi32, #tpu.memory_space<hbm>>
        tpu.wait_dma2 semaphore(%run_scoped3A_68 : memref<!tpu.dma_semaphore, #tpu.memory_space<semaphore_mem>>) src(%dma_wait3A_86 : memref<256xi32, #tpu.memory_space<hbm>>) dst(%dma_wait3A_83 : memref<256xi32, #tpu.memory_space<vmem>>)
        tpu.yield
      }) : () -> ()
      %run_scoped3A_67 = arith.constant 1 : i32
      "tpu.region"() ({
        %run_scoped3A_68 = tpu.sem_alloc : memref<!tpu.dma_semaphore, #tpu.memory_space<semaphore_mem>>
        %dma_start3A = arith.constant 0 : i32
        %dma_start3A_69 = tpu.memref_slice %arg13[%dma_start3A] : memref<4992xi32, #tpu.memory_space<vmem>> -> memref<256xi32, #tpu.memory_space<vmem>>
        %dma_start3A_70 = arith.constant 159744 : i32
        %dma_start3A_71 = tpu.memref_slice %arg7[%run_scoped3A_67, %dma_start3A_70] : memref<2x260000xi32, #tpu.memory_space<hbm>> -> memref<1x256xi32, #tpu.memory_space<hbm>>
        %dma_start3A_72 = tpu.memref_squeeze %dma_start3A_71 : memref<1x256xi32, #tpu.memory_space<hbm>> -> memref<256xi32, #tpu.memory_space<hbm>>
        %dma_start3A_73 = arith.constant 159744 : i32
        %dma_start3A_74 = tpu.memref_slice %arg7[%run_scoped3A_67, %dma_start3A_73] : memref<2x260000xi32, #tpu.memory_space<hbm>> -> memref<1x256xi32, #tpu.memory_space<hbm>>
        %dma_start3A_75 = tpu.memref_squeeze %dma_start3A_74 : memref<1x256xi32, #tpu.memory_space<hbm>> -> memref<256xi32, #tpu.memory_space<hbm>>
        %dma_start3A_76 = arith.constant 0 : i32
        %dma_start3A_77 = tpu.memref_slice %arg13[%dma_start3A_76] : memref<4992xi32, #tpu.memory_space<vmem>> -> memref<256xi32, #tpu.memory_space<vmem>>
        tpu.enqueue_dma source(%dma_start3A_77 : memref<256xi32, #tpu.memory_space<vmem>>) target(%dma_start3A_75 : memref<256xi32, #tpu.memory_space<hbm>>) target_semaphore(%run_scoped3A_68 : memref<!tpu.dma_semaphore, #tpu.memory_space<semaphore_mem>>)
        %dma_wait3A = arith.constant 0 : i32
        %dma_wait3A_78 = tpu.memref_slice %arg13[%dma_wait3A] : memref<4992xi32, #tpu.memory_space<vmem>> -> memref<256xi32, #tpu.memory_space<vmem>>
        %dma_wait3A_79 = arith.constant 159744 : i32
        %dma_wait3A_80 = tpu.memref_slice %arg7[%run_scoped3A_67, %dma_wait3A_79] : memref<2x260000xi32, #tpu.memory_space<hbm>> -> memref<1x256xi32, #tpu.memory_space<hbm>>
        %dma_wait3A_81 = tpu.memref_squeeze %dma_wait3A_80 : memref<1x256xi32, #tpu.memory_space<hbm>> -> memref<256xi32, #tpu.memory_space<hbm>>
        %dma_wait3A_82 = arith.constant 159744 : i32
        %dma_wait3A_83 = tpu.memref_slice %arg7[%run_scoped3A_67, %dma_wait3A_82] : memref<2x260000xi32, #tpu.memory_space<hbm>> -> memref<1x256xi32, #tpu.memory_space<hbm>>
        %dma_wait3A_84 = tpu.memref_squeeze %dma_wait3A_83 : memref<1x256xi32, #tpu.memory_space<hbm>> -> memref<256xi32, #tpu.memory_space<hbm>>
        %dma_wait3A_85 = arith.constant 0 : i32
        %dma_wait3A_86 = tpu.memref_slice %arg13[%dma_wait3A_85] : memref<4992xi32, #tpu.memory_space<vmem>> -> memref<256xi32, #tpu.memory_space<vmem>>
        tpu.wait_dma2 semaphore(%run_scoped3A_68 : memref<!tpu.dma_semaphore, #tpu.memory_space<semaphore_mem>>) src(%dma_wait3A_86 : memref<256xi32, #tpu.memory_space<vmem>>) dst(%dma_wait3A_84 : memref<256xi32, #tpu.memory_space<hbm>>)
        tpu.yield
      }) : () -> ()
    } else {
    }
    "tpu.trace_stop"() : () -> ()
    "tpu.trace_start"() <{level = 10 : i32, message = "ph_passa"}> : () -> ()
    "tpu.region"() ({
      %run_scoped3A_64 = tpu.sem_alloc : memref<!tpu.dma_semaphore, #tpu.memory_space<semaphore_mem>>
      tpu.enqueue_dma source(%arg4 : memref<10000xf32, #tpu.memory_space<hbm>>) target(%arg8 : memref<10000xf32, #tpu.memory_space<vmem>>) target_semaphore(%run_scoped3A_64 : memref<!tpu.dma_semaphore, #tpu.memory_space<semaphore_mem>>)
      tpu.wait_dma2 semaphore(%run_scoped3A_64 : memref<!tpu.dma_semaphore, #tpu.memory_space<semaphore_mem>>) src(%arg4 : memref<10000xf32, #tpu.memory_space<hbm>>) dst(%arg8 : memref<10000xf32, #tpu.memory_space<vmem>>)
      tpu.yield
    }) : () -> ()
    %scan3A = arith.constant 0 : i32
    %scan3A_28 = arith.constant 0 : i32
    %scan3A_29 = arith.constant 625 : i32
    %scan3A_30 = arith.addi %scan3A_28, %scan3A_29 : i32
    %scan3A_31 = arith.constant 1 : i32
    %scan3A_32 = scf.for %scan3A_64 = %scan3A_28 to %scan3A_30 step %scan3A_31 iter_args(%scan3A_65 = %scan3A) -> (i32)  : i32 {
      %mul3A_66 = arith.constant 16 : i32
      %mul3A_67 = arith.muli %scan3A_64, %mul3A_66 : i32
      %get3A = arith.index_cast %mul3A_67 : i32 to index
      %get3A_68 = tpu.vector_load %arg8[%get3A] {strides = array<i32>} : memref<10000xf32, #tpu.memory_space<vmem>>, vector<16xf32>,
      %convert_element_type3A_69 = arith.fptosi %get3A_68 : vector<16xf32> to vector<16xi32>
      %convert_element_type3A_70 = arith.sitofp %convert_element_type3A_69 : vector<16xi32> to vector<16xf32>
      %sub3A = arith.subf %get3A_68, %convert_element_type3A_70 : vector<16xf32>
      %gt3A = arith.constant 5.000000e-01 : f32
      %gt3A_71 = vector.broadcast %gt3A : f32 to vector<16xf32>
      %gt3A_72 = arith.cmpf ogt, %sub3A, %gt3A_71 : vector<16xf32>
      %eq3A_73 = arith.constant 5.000000e-01 : f32
      %eq3A_74 = vector.broadcast %eq3A_73 : f32 to vector<16xf32>
      %eq3A_75 = arith.cmpf oeq, %sub3A, %eq3A_74 : vector<16xf32>
      %rem3A = arith.constant 2 : i32
      %rem3A_76 = vector.broadcast %rem3A : i32 to vector<16xi32>
      %rem3A_77 = arith.remsi %convert_element_type3A_69, %rem3A_76 : vector<16xi32>
      %ne3A = arith.constant 0 : i32
      %ne3A_78 = vector.broadcast %ne3A : i32 to vector<16xi32>
      %ne3A_79 = arith.cmpi ne, %rem3A_77, %ne3A_78 : vector<16xi32>
      %and3A = arith.andi %eq3A_75, %ne3A_79 : vector<16xi1>
      %or3A = arith.ori %gt3A_72, %and3A : vector<16xi1>
      %jit3A = arith.constant 1 : i32
      %jit3A_80 = arith.constant 0 : i32
      %broadcast_in_dim3A_81 = vector.broadcast %jit3A : i32 to vector<16xi32>
      %broadcast_in_dim3A_82 = vector.broadcast %jit3A_80 : i32 to vector<16xi32>
      %select_n3A = arith.select %or3A, %broadcast_in_dim3A_81, %broadcast_in_dim3A_82 : vector<16xi1>, vector<16xi32>
      %add3A_83 = arith.addi %convert_element_type3A_69, %select_n3A : vector<16xi32>
      %jit3A_84 = arith.constant 0 : i32
      %jit3A_85 = arith.constant 5 : i32
      %max3A = vector.broadcast %jit3A_84 : i32 to vector<16xi32>
      %max3A_86 = arith.maxsi %max3A, %add3A_83 : vector<16xi32>
      %min3A = vector.broadcast %jit3A_85 : i32 to vector<16xi32>
      %min3A_87 = arith.minsi %min3A, %max3A_86 : vector<16xi32>
      %broadcast_in_dim3A_88 = arith.constant true
      %broadcast_in_dim3A_89 = vector.broadcast %broadcast_in_dim3A_88 : i1 to vector<16xi1>
      %masked_cumsum3A = tpu.scan <sum>, %min3A_87 masked %broadcast_in_dim3A_89 : vector<16xi32>, vector<16xi1> -> vector<16xi32>
      %sub3A_90 = arith.subi %masked_cumsum3A, %min3A_87 : vector<16xi32>
      %add3A_91 = vector.broadcast %scan3A_65 : i32 to vector<16xi32>
      %add3A_92 = arith.addi %sub3A_90, %add3A_91 : vector<16xi32>
      %mul3A_93 = arith.constant 16 : i32
      %mul3A_94 = arith.muli %scan3A_64, %mul3A_93 : i32
      %swap3A = arith.index_cast %mul3A_94 : i32 to index
      %swap3A_95 = tpu.vector_load %arg9[%swap3A] {strides = array<i32>} : memref<12288xi32, #tpu.memory_space<vmem>>, vector<16xi32>,
      tpu.vector_store %arg9[%swap3A], %add3A_92 {strides = array<i32>} : memref<12288xi32, #tpu.memory_space<vmem>>, vector<16xi32>,
      %slice3A = vector.extract_strided_slice %masked_cumsum3A {offsets = [15], sizes = [1], strides = [1]} : vector<16xi32> to vector<1xi32>
      %squeeze3A = vector.extract %slice3A[0] : i32 from vector<1xi32>
      %add3A_96 = arith.addi %scan3A_65, %squeeze3A : i32
      scf.yield %add3A_96 : i32
    }
    %scan3A_33 = arith.constant 625 : i32
    %broadcast_in_dim3A_34 = arith.constant 2147483647 : i32
    %broadcast_in_dim3A_35 = vector.broadcast %broadcast_in_dim3A_34 : i32 to vector<16xi32>
    %scan3A_36 = arith.constant 0 : i32
    %scan3A_37 = arith.constant 0 : i32
    %scan3A_38 = arith.constant 143 : i32
    %scan3A_39 = arith.addi %scan3A_37, %scan3A_38 : i32
    %scan3A_40 = arith.constant 1 : i32
    %scan3A_41 = scf.for %scan3A_64 = %scan3A_37 to %scan3A_39 step %scan3A_40 iter_args(%scan3A_65 = %scan3A_36) -> (i32)  : i32 {
      %mul3A_66 = arith.constant 16 : i32
      %mul3A_67 = arith.muli %scan3A_64, %mul3A_66 : i32
      %add3A_68 = arith.constant 10000 : i32
      %add3A_69 = arith.addi %add3A_68, %mul3A_67 : i32
      %swap3A = arith.index_cast %add3A_69 : i32 to index
      %swap3A_70 = tpu.vector_load %arg9[%swap3A] {strides = array<i32>} : memref<12288xi32, #tpu.memory_space<vmem>>, vector<16xi32>,
      tpu.vector_store %arg9[%swap3A], %broadcast_in_dim3A_35 {strides = array<i32>} : memref<12288xi32, #tpu.memory_space<vmem>>, vector<16xi32>,
      %scan3A_71 = arith.constant 0 : i32
      scf.yield %scan3A_71 : i32
    }
    %scan3A_42 = arith.constant 143 : i32
    "tpu.trace_stop"() : () -> ()
    "tpu.trace_start"() <{level = 10 : i32, message = "ph_zero"}> : () -> ()
    %scan3A_43 = arith.constant 0 : i32
    %scan3A_44 = arith.constant 0 : i32
    %scan3A_45 = arith.constant 224 : i32
    %scan3A_46 = arith.addi %scan3A_44, %scan3A_45 : i32
    %scan3A_47 = arith.constant 1 : i32
    %scan3A_48 = scf.for %scan3A_64 = %scan3A_44 to %scan3A_46 step %scan3A_47 iter_args(%scan3A_65 = %scan3A_43) -> (i32)  : i32 {
      %swap3A = arith.constant 0 : i32
      %swap3A_66 = tpu.memref_slice %arg14[%scan3A_64, %swap3A] : memref<224x128xf32, #tpu.memory_space<vmem>> -> memref<1x128xf32, #tpu.memory_space<vmem>>
      %swap3A_67 = tpu.memref_squeeze %swap3A_66 : memref<1x128xf32, #tpu.memory_space<vmem>> -> memref<128xf32, #tpu.memory_space<vmem>>
      %swap3A_68 = arith.constant 0 : index
      %swap3A_69 = tpu.vector_load %swap3A_67[%swap3A_68] {strides = array<i32>} : memref<128xf32, #tpu.memory_space<vmem>>, vector<16xf32>,
      tpu.vector_store %swap3A_67[%swap3A_68], %broadcast_in_dim3A_1 {strides = array<i32>} : memref<128xf32, #tpu.memory_space<vmem>>, vector<16xf32>,
      %swap3A_70 = arith.constant 0 : i32
      %swap3A_71 = tpu.memref_slice %arg14[%scan3A_64, %swap3A_70] : memref<224x128xf32, #tpu.memory_space<vmem>> -> memref<1x128xf32, #tpu.memory_space<vmem>>
      %swap3A_72 = tpu.memref_squeeze %swap3A_71 : memref<1x128xf32, #tpu.memory_space<vmem>> -> memref<128xf32, #tpu.memory_space<vmem>>
      %swap3A_73 = arith.constant 16 : index
      %swap3A_74 = tpu.vector_load %swap3A_72[%swap3A_73] {strides = array<i32>} : memref<128xf32, #tpu.memory_space<vmem>>, vector<16xf32>,
      tpu.vector_store %swap3A_72[%swap3A_73], %broadcast_in_dim3A_1 {strides = array<i32>} : memref<128xf32, #tpu.memory_space<vmem>>, vector<16xf32>,
      %swap3A_75 = arith.constant 0 : i32
      %swap3A_76 = tpu.memref_slice %arg14[%scan3A_64, %swap3A_75] : memref<224x128xf32, #tpu.memory_space<vmem>> -> memref<1x128xf32, #tpu.memory_space<vmem>>
      %swap3A_77 = tpu.memref_squeeze %swap3A_76 : memref<1x128xf32, #tpu.memory_space<vmem>> -> memref<128xf32, #tpu.memory_space<vmem>>
      %swap3A_78 = arith.constant 32 : index
      %swap3A_79 = tpu.vector_load %swap3A_77[%swap3A_78] {strides = array<i32>} : memref<128xf32, #tpu.memory_space<vmem>>, vector<16xf32>,
      tpu.vector_store %swap3A_77[%swap3A_78], %broadcast_in_dim3A_1 {strides = array<i32>} : memref<128xf32, #tpu.memory_space<vmem>>, vector<16xf32>,
      %swap3A_80 = arith.constant 0 : i32
      %swap3A_81 = tpu.memref_slice %arg14[%scan3A_64, %swap3A_80] : memref<224x128xf32, #tpu.memory_space<vmem>> -> memref<1x128xf32, #tpu.memory_space<vmem>>
      %swap3A_82 = tpu.memref_squeeze %swap3A_81 : memref<1x128xf32, #tpu.memory_space<vmem>> -> memref<128xf32, #tpu.memory_space<vmem>>
      %swap3A_83 = arith.constant 48 : index
      %swap3A_84 = tpu.vector_load %swap3A_82[%swap3A_83] {strides = array<i32>} : memref<128xf32, #tpu.memory_space<vmem>>, vector<16xf32>,
      tpu.vector_store %swap3A_82[%swap3A_83], %broadcast_in_dim3A_1 {strides = array<i32>} : memref<128xf32, #tpu.memory_space<vmem>>, vector<16xf32>,
      %swap3A_85 = arith.constant 0 : i32
      %swap3A_86 = tpu.memref_slice %arg14[%scan3A_64, %swap3A_85] : memref<224x128xf32, #tpu.memory_space<vmem>> -> memref<1x128xf32, #tpu.memory_space<vmem>>
      %swap3A_87 = tpu.memref_squeeze %swap3A_86 : memref<1x128xf32, #tpu.memory_space<vmem>> -> memref<128xf32, #tpu.memory_space<vmem>>
      %swap3A_88 = arith.constant 64 : index
      %swap3A_89 = tpu.vector_load %swap3A_87[%swap3A_88] {strides = array<i32>} : memref<128xf32, #tpu.memory_space<vmem>>, vector<16xf32>,
      tpu.vector_store %swap3A_87[%swap3A_88], %broadcast_in_dim3A_1 {strides = array<i32>} : memref<128xf32, #tpu.memory_space<vmem>>, vector<16xf32>,
      %swap3A_90 = arith.constant 0 : i32
      %swap3A_91 = tpu.memref_slice %arg14[%scan3A_64, %swap3A_90] : memref<224x128xf32, #tpu.memory_space<vmem>> -> memref<1x128xf32, #tpu.memory_space<vmem>>
      %swap3A_92 = tpu.memref_squeeze %swap3A_91 : memref<1x128xf32, #tpu.memory_space<vmem>> -> memref<128xf32, #tpu.memory_space<vmem>>
      %swap3A_93 = arith.constant 80 : index
      %swap3A_94 = tpu.vector_load %swap3A_92[%swap3A_93] {strides = array<i32>} : memref<128xf32, #tpu.memory_space<vmem>>, vector<16xf32>,
      tpu.vector_store %swap3A_92[%swap3A_93], %broadcast_in_dim3A_1 {strides = array<i32>} : memref<128xf32, #tpu.memory_space<vmem>>, vector<16xf32>,
      %swap3A_95 = arith.constant 0 : i32
      %swap3A_96 = tpu.memref_slice %arg14[%scan3A_64, %swap3A_95] : memref<224x128xf32, #tpu.memory_space<vmem>> -> memref<1x128xf32, #tpu.memory_space<vmem>>
      %swap3A_97 = tpu.memref_squeeze %swap3A_96 : memref<1x128xf32, #tpu.memory_space<vmem>> -> memref<128xf32, #tpu.memory_space<vmem>>
      %swap3A_98 = arith.constant 96 : index
      %swap3A_99 = tpu.vector_load %swap3A_97[%swap3A_98] {strides = array<i32>} : memref<128xf32, #tpu.memory_space<vmem>>, vector<16xf32>,
      tpu.vector_store %swap3A_97[%swap3A_98], %broadcast_in_dim3A_1 {strides = array<i32>} : memref<128xf32, #tpu.memory_space<vmem>>, vector<16xf32>,
      %swap3A_100 = arith.constant 0 : i32
      %swap3A_101 = tpu.memref_slice %arg14[%scan3A_64, %swap3A_100] : memref<224x128xf32, #tpu.memory_space<vmem>> -> memref<1x128xf32, #tpu.memory_space<vmem>>
      %swap3A_102 = tpu.memref_squeeze %swap3A_101 : memref<1x128xf32, #tpu.memory_space<vmem>> -> memref<128xf32, #tpu.memory_space<vmem>>
      %swap3A_103 = arith.constant 112 : index
      %swap3A_104 = tpu.vector_load %swap3A_102[%swap3A_103] {strides = array<i32>} : memref<128xf32, #tpu.memory_space<vmem>>, vector<16xf32>,
      tpu.vector_store %swap3A_102[%swap3A_103], %broadcast_in_dim3A_1 {strides = array<i32>} : memref<128xf32, #tpu.memory_space<vmem>>, vector<16xf32>,
      %scan3A_105 = arith.constant 0 : i32
      scf.yield %scan3A_105 : i32
    }
    %scan3A_49 = arith.constant 224 : i32
    "tpu.trace_stop"() : () -> ()
    "tpu.trace_start"() <{level = 10 : i32, message = "ph_batches"}> : () -> ()
    %scan3A_50 = arith.constant 0 : i32
    %scan3A_51 = arith.constant 0 : i32
    %scan3A_52 = arith.constant 14 : i32
    %scan3A_53 = arith.addi %scan3A_51, %scan3A_52 : i32
    %scan3A_54 = arith.constant 1 : i32
    %scan3A_55 = scf.for %scan3A_64 = %scan3A_51 to %scan3A_53 step %scan3A_54 iter_args(%scan3A_65 = %scan3A_50) -> (i32)  : i32 {
      %mul3A_66 = arith.constant 32 : i32
      %mul3A_67 = arith.muli %mul3A_66, %scan3A_64 : i32
      %add3A_68 = arith.addi %add3A, %mul3A_67 : i32
      %lt3A = arith.constant 446 : i32
      %lt3A_69 = arith.cmpi slt, %add3A_68, %lt3A : i32
      %convert_element_type3A_70 = arith.extui %lt3A_69 : i1 to i32
      %cond3A_71 = arith.constant 0 : i32
      %cond3A_72 = arith.cmpi ne, %convert_element_type3A_70, %cond3A_71 : i32
      scf.if %cond3A_72 {
        %mul3A_74 = arith.constant 224 : i32
        %mul3A_75 = arith.muli %scan3A_64, %mul3A_74 : i32
        %mul3A_76 = arith.constant 112 : i32
        %mul3A_77 = arith.muli %add3A_68, %mul3A_76 : i32
        %scan3A_78 = arith.constant 0 : i32
        %scan3A_79 = arith.constant 0 : i32
        %scan3A_80 = arith.constant 7 : i32
        %scan3A_81 = arith.addi %scan3A_79, %scan3A_80 : i32
        %scan3A_82 = arith.constant 1 : i32
        %scan3A_83 = scf.for %scan3A_115 = %scan3A_79 to %scan3A_81 step %scan3A_82 iter_args(%scan3A_116 = %scan3A_78) -> (i32)  : i32 {
          %mul3A_117 = arith.constant 16 : i32
          %mul3A_118 = arith.muli %scan3A_115, %mul3A_117 : i32
          %add3A_119 = arith.addi %mul3A_77, %mul3A_118 : i32
          %add3A_120 = vector.broadcast %add3A_119 : i32 to vector<16xi32>
          %add3A_121 = arith.addi %add3A_120, %iota3A : vector<16xi32>
          %broadcast_in_dim3A_122 = arith.constant 0 : i32
          %broadcast_in_dim3A_123 = vector.broadcast %broadcast_in_dim3A_122 : i32 to vector<16xi32>
          %add3A_124 = arith.constant 8191 : i32
          %add3A_125 = vector.broadcast %add3A_124 : i32 to vector<16xi32>
          %add3A_126 = arith.addi %broadcast_in_dim3A_123, %add3A_125 : vector<16xi32>
          %gather3A = tpu.vector_load_idx %arg9[%add3A_126] : memref<12288xi32, #tpu.memory_space<vmem>>[vector<16xi32>], vector<16xi32>,
          %le3A = arith.cmpi sle, %gather3A, %add3A_121 : vector<16xi32>
          %add3A_127 = arith.constant 8192 : i32
          %add3A_128 = vector.broadcast %add3A_127 : i32 to vector<16xi32>
          %add3A_129 = arith.addi %broadcast_in_dim3A_123, %add3A_128 : vector<16xi32>
          %select_n3A = arith.select %le3A, %add3A_129, %broadcast_in_dim3A_123 : vector<16xi1>, vector<16xi32>
          %add3A_130 = arith.constant 4095 : i32
          %add3A_131 = vector.broadcast %add3A_130 : i32 to vector<16xi32>
          %add3A_132 = arith.addi %select_n3A, %add3A_131 : vector<16xi32>
          %gather3A_133 = tpu.vector_load_idx %arg9[%add3A_132] : memref<12288xi32, #tpu.memory_space<vmem>>[vector<16xi32>], vector<16xi32>,
          %le3A_134 = arith.cmpi sle, %gather3A_133, %add3A_121 : vector<16xi32>
          %add3A_135 = arith.constant 4096 : i32
          %add3A_136 = vector.broadcast %add3A_135 : i32 to vector<16xi32>
          %add3A_137 = arith.addi %select_n3A, %add3A_136 : vector<16xi32>
          %select_n3A_138 = arith.select %le3A_134, %add3A_137, %select_n3A : vector<16xi1>, vector<16xi32>
          %add3A_139 = arith.constant 2047 : i32
          %add3A_140 = vector.broadcast %add3A_139 : i32 to vector<16xi32>
          %add3A_141 = arith.addi %select_n3A_138, %add3A_140 : vector<16xi32>
          %gather3A_142 = tpu.vector_load_idx %arg9[%add3A_141] : memref<12288xi32, #tpu.memory_space<vmem>>[vector<16xi32>], vector<16xi32>,
          %le3A_143 = arith.cmpi sle, %gather3A_142, %add3A_121 : vector<16xi32>
          %add3A_144 = arith.constant 2048 : i32
          %add3A_145 = vector.broadcast %add3A_144 : i32 to vector<16xi32>
          %add3A_146 = arith.addi %select_n3A_138, %add3A_145 : vector<16xi32>
          %select_n3A_147 = arith.select %le3A_143, %add3A_146, %select_n3A_138 : vector<16xi1>, vector<16xi32>
          %add3A_148 = arith.constant 1023 : i32
          %add3A_149 = vector.broadcast %add3A_148 : i32 to vector<16xi32>
          %add3A_150 = arith.addi %select_n3A_147, %add3A_149 : vector<16xi32>
          %gather3A_151 = tpu.vector_load_idx %arg9[%add3A_150] : memref<12288xi32, #tpu.memory_space<vmem>>[vector<16xi32>], vector<16xi32>,
          %le3A_152 = arith.cmpi sle, %gather3A_151, %add3A_121 : vector<16xi32>
          %add3A_153 = arith.constant 1024 : i32
          %add3A_154 = vector.broadcast %add3A_153 : i32 to vector<16xi32>
          %add3A_155 = arith.addi %select_n3A_147, %add3A_154 : vector<16xi32>
          %select_n3A_156 = arith.select %le3A_152, %add3A_155, %select_n3A_147 : vector<16xi1>, vector<16xi32>
          %add3A_157 = arith.constant 511 : i32
          %add3A_158 = vector.broadcast %add3A_157 : i32 to vector<16xi32>
          %add3A_159 = arith.addi %select_n3A_156, %add3A_158 : vector<16xi32>
          %gather3A_160 = tpu.vector_load_idx %arg9[%add3A_159] : memref<12288xi32, #tpu.memory_space<vmem>>[vector<16xi32>], vector<16xi32>,
          %le3A_161 = arith.cmpi sle, %gather3A_160, %add3A_121 : vector<16xi32>
          %add3A_162 = arith.constant 512 : i32
          %add3A_163 = vector.broadcast %add3A_162 : i32 to vector<16xi32>
          %add3A_164 = arith.addi %select_n3A_156, %add3A_163 : vector<16xi32>
          %select_n3A_165 = arith.select %le3A_161, %add3A_164, %select_n3A_156 : vector<16xi1>, vector<16xi32>
          %add3A_166 = arith.constant 255 : i32
          %add3A_167 = vector.broadcast %add3A_166 : i32 to vector<16xi32>
          %add3A_168 = arith.addi %select_n3A_165, %add3A_167 : vector<16xi32>
          %gather3A_169 = tpu.vector_load_idx %arg9[%add3A_168] : memref<12288xi32, #tpu.memory_space<vmem>>[vector<16xi32>], vector<16xi32>,
          %le3A_170 = arith.cmpi sle, %gather3A_169, %add3A_121 : vector<16xi32>
          %add3A_171 = arith.constant 256 : i32
          %add3A_172 = vector.broadcast %add3A_171 : i32 to vector<16xi32>
          %add3A_173 = arith.addi %select_n3A_165, %add3A_172 : vector<16xi32>
          %select_n3A_174 = arith.select %le3A_170, %add3A_173, %select_n3A_165 : vector<16xi1>, vector<16xi32>
          %add3A_175 = arith.constant 127 : i32
          %add3A_176 = vector.broadcast %add3A_175 : i32 to vector<16xi32>
          %add3A_177 = arith.addi %select_n3A_174, %add3A_176 : vector<16xi32>
          %gather3A_178 = tpu.vector_load_idx %arg9[%add3A_177] : memref<12288xi32, #tpu.memory_space<vmem>>[vector<16xi32>], vector<16xi32>,
          %le3A_179 = arith.cmpi sle, %gather3A_178, %add3A_121 : vector<16xi32>
          %add3A_180 = arith.constant 128 : i32
          %add3A_181 = vector.broadcast %add3A_180 : i32 to vector<16xi32>
          %add3A_182 = arith.addi %select_n3A_174, %add3A_181 : vector<16xi32>
          %select_n3A_183 = arith.select %le3A_179, %add3A_182, %select_n3A_174 : vector<16xi1>, vector<16xi32>
          %add3A_184 = arith.constant 63 : i32
          %add3A_185 = vector.broadcast %add3A_184 : i32 to vector<16xi32>
          %add3A_186 = arith.addi %select_n3A_183, %add3A_185 : vector<16xi32>
          %gather3A_187 = tpu.vector_load_idx %arg9[%add3A_186] : memref<12288xi32, #tpu.memory_space<vmem>>[vector<16xi32>], vector<16xi32>,
          %le3A_188 = arith.cmpi sle, %gather3A_187, %add3A_121 : vector<16xi32>
          %add3A_189 = arith.constant 64 : i32
          %add3A_190 = vector.broadcast %add3A_189 : i32 to vector<16xi32>
          %add3A_191 = arith.addi %select_n3A_183, %add3A_190 : vector<16xi32>
          %select_n3A_192 = arith.select %le3A_188, %add3A_191, %select_n3A_183 : vector<16xi1>, vector<16xi32>
          %add3A_193 = arith.constant 31 : i32
          %add3A_194 = vector.broadcast %add3A_193 : i32 to vector<16xi32>
          %add3A_195 = arith.addi %select_n3A_192, %add3A_194 : vector<16xi32>
          %gather3A_196 = tpu.vector_load_idx %arg9[%add3A_195] : memref<12288xi32, #tpu.memory_space<vmem>>[vector<16xi32>], vector<16xi32>,
          %le3A_197 = arith.cmpi sle, %gather3A_196, %add3A_121 : vector<16xi32>
          %add3A_198 = arith.constant 32 : i32
          %add3A_199 = vector.broadcast %add3A_198 : i32 to vector<16xi32>
          %add3A_200 = arith.addi %select_n3A_192, %add3A_199 : vector<16xi32>
          %select_n3A_201 = arith.select %le3A_197, %add3A_200, %select_n3A_192 : vector<16xi1>, vector<16xi32>
          %add3A_202 = arith.constant 15 : i32
          %add3A_203 = vector.broadcast %add3A_202 : i32 to vector<16xi32>
          %add3A_204 = arith.addi %select_n3A_201, %add3A_203 : vector<16xi32>
          %gather3A_205 = tpu.vector_load_idx %arg9[%add3A_204] : memref<12288xi32, #tpu.memory_space<vmem>>[vector<16xi32>], vector<16xi32>,
          %le3A_206 = arith.cmpi sle, %gather3A_205, %add3A_121 : vector<16xi32>
          %add3A_207 = arith.constant 16 : i32
          %add3A_208 = vector.broadcast %add3A_207 : i32 to vector<16xi32>
          %add3A_209 = arith.addi %select_n3A_201, %add3A_208 : vector<16xi32>
          %select_n3A_210 = arith.select %le3A_206, %add3A_209, %select_n3A_201 : vector<16xi1>, vector<16xi32>
          %add3A_211 = arith.constant 7 : i32
          %add3A_212 = vector.broadcast %add3A_211 : i32 to vector<16xi32>
          %add3A_213 = arith.addi %select_n3A_210, %add3A_212 : vector<16xi32>
          %gather3A_214 = tpu.vector_load_idx %arg9[%add3A_213] : memref<12288xi32, #tpu.memory_space<vmem>>[vector<16xi32>], vector<16xi32>,
          %le3A_215 = arith.cmpi sle, %gather3A_214, %add3A_121 : vector<16xi32>
          %add3A_216 = arith.constant 8 : i32
          %add3A_217 = vector.broadcast %add3A_216 : i32 to vector<16xi32>
          %add3A_218 = arith.addi %select_n3A_210, %add3A_217 : vector<16xi32>
          %select_n3A_219 = arith.select %le3A_215, %add3A_218, %select_n3A_210 : vector<16xi1>, vector<16xi32>
          %add3A_220 = arith.constant 3 : i32
          %add3A_221 = vector.broadcast %add3A_220 : i32 to vector<16xi32>
          %add3A_222 = arith.addi %select_n3A_219, %add3A_221 : vector<16xi32>
          %gather3A_223 = tpu.vector_load_idx %arg9[%add3A_222] : memref<12288xi32, #tpu.memory_space<vmem>>[vector<16xi32>], vector<16xi32>,
          %le3A_224 = arith.cmpi sle, %gather3A_223, %add3A_121 : vector<16xi32>
          %add3A_225 = arith.constant 4 : i32
          %add3A_226 = vector.broadcast %add3A_225 : i32 to vector<16xi32>
          %add3A_227 = arith.addi %select_n3A_219, %add3A_226 : vector<16xi32>
          %select_n3A_228 = arith.select %le3A_224, %add3A_227, %select_n3A_219 : vector<16xi1>, vector<16xi32>
          %add3A_229 = arith.constant 1 : i32
          %add3A_230 = vector.broadcast %add3A_229 : i32 to vector<16xi32>
          %add3A_231 = arith.addi %select_n3A_228, %add3A_230 : vector<16xi32>
          %gather3A_232 = tpu.vector_load_idx %arg9[%add3A_231] : memref<12288xi32, #tpu.memory_space<vmem>>[vector<16xi32>], vector<16xi32>,
          %le3A_233 = arith.cmpi sle, %gather3A_232, %add3A_121 : vector<16xi32>
          %add3A_234 = arith.constant 2 : i32
          %add3A_235 = vector.broadcast %add3A_234 : i32 to vector<16xi32>
          %add3A_236 = arith.addi %select_n3A_228, %add3A_235 : vector<16xi32>
          %select_n3A_237 = arith.select %le3A_233, %add3A_236, %select_n3A_228 : vector<16xi1>, vector<16xi32>
          %add3A_238 = arith.constant 0 : i32
          %add3A_239 = vector.broadcast %add3A_238 : i32 to vector<16xi32>
          %add3A_240 = arith.addi %select_n3A_237, %add3A_239 : vector<16xi32>
          %gather3A_241 = tpu.vector_load_idx %arg9[%add3A_240] : memref<12288xi32, #tpu.memory_space<vmem>>[vector<16xi32>], vector<16xi32>,
          %le3A_242 = arith.cmpi sle, %gather3A_241, %add3A_121 : vector<16xi32>
          %add3A_243 = arith.constant 1 : i32
          %add3A_244 = vector.broadcast %add3A_243 : i32 to vector<16xi32>
          %add3A_245 = arith.addi %select_n3A_237, %add3A_244 : vector<16xi32>
          %select_n3A_246 = arith.select %le3A_242, %add3A_245, %select_n3A_237 : vector<16xi1>, vector<16xi32>
          %sub3A_247 = arith.constant 1 : i32
          %sub3A_248 = vector.broadcast %sub3A_247 : i32 to vector<16xi32>
          %sub3A_249 = arith.subi %select_n3A_246, %sub3A_248 : vector<16xi32>
          %gather3A_250 = tpu.vector_load_idx %arg9[%sub3A_249] : memref<12288xi32, #tpu.memory_space<vmem>>[vector<16xi32>], vector<16xi32>,
          %sub3A_251 = arith.subi %add3A_121, %gather3A_250 : vector<16xi32>
          %lt3A_252 = vector.broadcast %scan3A_32 : i32 to vector<16xi32>
          %lt3A_253 = arith.cmpi slt, %add3A_121, %lt3A_252 : vector<16xi32>
          %shift_right_arithmetic3A = arith.constant 3 : i32
          %shift_right_arithmetic3A_254 = vector.broadcast %shift_right_arithmetic3A : i32 to vector<16xi32>
          %shift_right_arithmetic3A_255 = arith.shrsi %sub3A_249, %shift_right_arithmetic3A_254 : vector<16xi32>
          %mul3A_256 = arith.constant 10 : i32
          %mul3A_257 = vector.broadcast %mul3A_256 : i32 to vector<16xi32>
          %mul3A_258 = arith.muli %shift_right_arithmetic3A_255, %mul3A_257 : vector<16xi32>
          %mul3A_259 = arith.constant 2 : i32
          %mul3A_260 = vector.broadcast %mul3A_259 : i32 to vector<16xi32>
          %mul3A_261 = arith.muli %mul3A_260, %sub3A_251 : vector<16xi32>
          %add3A_262 = arith.addi %mul3A_258, %mul3A_261 : vector<16xi32>
          %mul3A_263 = arith.constant 8 : i32
          %mul3A_264 = vector.broadcast %mul3A_263 : i32 to vector<16xi32>
          %mul3A_265 = arith.muli %add3A_262, %mul3A_264 : vector<16xi32>
          %and3A = arith.constant 7 : i32
          %and3A_266 = vector.broadcast %and3A : i32 to vector<16xi32>
          %and3A_267 = arith.andi %sub3A_249, %and3A_266 : vector<16xi32>
          %add3A_268 = arith.addi %mul3A_265, %and3A_267 : vector<16xi32>
          %jit3A_269 = arith.constant 0 : i32
          %broadcast_in_dim3A_270 = vector.broadcast %jit3A_269 : i32 to vector<16xi32>
          %select_n3A_271 = arith.select %lt3A_253, %add3A_268, %broadcast_in_dim3A_270 : vector<16xi1>, vector<16xi32>
          %mul3A_272 = arith.constant 32 : i32
          %mul3A_273 = arith.muli %scan3A_115, %mul3A_272 : i32
          %add3A_274 = arith.addi %mul3A_75, %mul3A_273 : i32
          %shift_right_arithmetic3A_275 = arith.constant 3 : i32
          %shift_right_arithmetic3A_276 = vector.broadcast %shift_right_arithmetic3A_275 : i32 to vector<16xi32>
          %shift_right_arithmetic3A_277 = arith.shrsi %iota3A, %shift_right_arithmetic3A_276 : vector<16xi32>
          %mul3A_278 = arith.constant 16 : i32
          %mul3A_279 = vector.broadcast %mul3A_278 : i32 to vector<16xi32>
          %mul3A_280 = arith.muli %shift_right_arithmetic3A_277, %mul3A_279 : vector<16xi32>
          %add3A_281 = vector.broadcast %add3A_274 : i32 to vector<16xi32>
          %add3A_282 = arith.addi %add3A_281, %mul3A_280 : vector<16xi32>
          %and3A_283 = arith.constant 7 : i32
          %and3A_284 = vector.broadcast %and3A_283 : i32 to vector<16xi32>
          %and3A_285 = arith.andi %iota3A, %and3A_284 : vector<16xi32>
          %add3A_286 = arith.addi %add3A_282, %and3A_285 : vector<16xi32>
          tpu.vector_store_idx %arg10[%add3A_286], %select_n3A_271 : memref<3136xi32, #tpu.memory_space<vmem>>[vector<16xi32>], vector<16xi32>,
          %add3A_287 = arith.constant 8 : i32
          %add3A_288 = vector.broadcast %add3A_287 : i32 to vector<16xi32>
          %add3A_289 = arith.addi %add3A_286, %add3A_288 : vector<16xi32>
          %add3A_290 = arith.constant 8 : i32
          %add3A_291 = vector.broadcast %add3A_290 : i32 to vector<16xi32>
          %add3A_292 = arith.addi %select_n3A_271, %add3A_291 : vector<16xi32>
          %jit3A_293 = arith.constant 0 : i32
          %broadcast_in_dim3A_294 = vector.broadcast %jit3A_293 : i32 to vector<16xi32>
          %select_n3A_295 = arith.select %lt3A_253, %add3A_292, %broadcast_in_dim3A_294 : vector<16xi1>, vector<16xi32>
          tpu.vector_store_idx %arg10[%add3A_289], %select_n3A_295 : memref<3136xi32, #tpu.memory_space<vmem>>[vector<16xi32>], vector<16xi32>,
          %jit3A_296 = arith.constant -1 : i32
          %broadcast_in_dim3A_297 = vector.broadcast %jit3A_296 : i32 to vector<16xi32>
          %select_n3A_298 = arith.select %lt3A_253, %sub3A_249, %broadcast_in_dim3A_297 : vector<16xi1>, vector<16xi32>
          %add3A_299 = arith.constant 10000 : i32
          %add3A_300 = vector.broadcast %add3A_299 : i32 to vector<16xi32>
          %add3A_301 = arith.addi %add3A_300, %add3A_121 : vector<16xi32>
          %jit3A_302 = arith.constant -1 : i32
          %broadcast_in_dim3A_303 = vector.broadcast %jit3A_302 : i32 to vector<16xi32>
          %select_n3A_304 = arith.select %lt3A_253, %add3A_301, %broadcast_in_dim3A_303 : vector<16xi1>, vector<16xi32>
          %mul3A_305 = arith.constant 32 : i32
          %mul3A_306 = arith.muli %scan3A_115, %mul3A_305 : i32
          %add3A_307 = arith.addi %mul3A_75, %mul3A_306 : i32
          %mul3A_308 = arith.constant 2 : i32
          %mul3A_309 = vector.broadcast %mul3A_308 : i32 to vector<16xi32>
          %mul3A_310 = arith.muli %iota3A, %mul3A_309 : vector<16xi32>
          %add3A_311 = vector.broadcast %add3A_307 : i32 to vector<16xi32>
          %add3A_312 = arith.addi %add3A_311, %mul3A_310 : vector<16xi32>
          tpu.vector_store_idx %arg11[%add3A_312], %select_n3A_298 : memref<3136xi32, #tpu.memory_space<vmem>>[vector<16xi32>], vector<16xi32>,
          %add3A_313 = arith.constant 1 : i32
          %add3A_314 = vector.broadcast %add3A_313 : i32 to vector<16xi32>
          %add3A_315 = arith.addi %add3A_312, %add3A_314 : vector<16xi32>
          tpu.vector_store_idx %arg11[%add3A_315], %select_n3A_304 : memref<3136xi32, #tpu.memory_space<vmem>>[vector<16xi32>], vector<16xi32>,
          tpu.vector_store_idx %arg12[%add3A_312], %select_n3A_304 : memref<3136xi32, #tpu.memory_space<vmem>>[vector<16xi32>], vector<16xi32>,
          %add3A_316 = arith.constant 1 : i32
          %add3A_317 = vector.broadcast %add3A_316 : i32 to vector<16xi32>
          %add3A_318 = arith.addi %add3A_312, %add3A_317 : vector<16xi32>
          tpu.vector_store_idx %arg12[%add3A_318], %select_n3A_298 : memref<3136xi32, #tpu.memory_space<vmem>>[vector<16xi32>], vector<16xi32>,
          %scan3A_319 = arith.constant 0 : i32
          scf.yield %scan3A_319 : i32
        }
        %scan3A_84 = arith.constant 7 : i32
        %mul3A_85 = arith.constant 224 : i32
        %mul3A_86 = arith.muli %scan3A_64, %mul3A_85 : i32
        %mul3A_87 = arith.constant 112 : i32
        %mul3A_88 = arith.muli %add3A_68, %mul3A_87 : i32
        %mul3A_89 = arith.constant 2 : i32
        %mul3A_90 = arith.muli %mul3A_89, %mul3A_88 : i32
        %add3A_91 = arith.constant 160000 : i32
        %add3A_92 = arith.addi %add3A_91, %mul3A_90 : i32
        %dma_start3A = arith.constant 0 : i32
        %dma_start3A_93 = tpu.memref_slice %arg11[%mul3A_86] : memref<3136xi32, #tpu.memory_space<vmem>> -> memref<224xi32, #tpu.memory_space<vmem>>
        %dma_start3A_94 = tpu.memref_slice %arg7[%dma_start3A, %add3A_92] : memref<2x260000xi32, #tpu.memory_space<hbm>> -> memref<1x224xi32, #tpu.memory_space<hbm>>
        %dma_start3A_95 = tpu.memref_squeeze %dma_start3A_94 : memref<1x224xi32, #tpu.memory_space<hbm>> -> memref<224xi32, #tpu.memory_space<hbm>>
        %dma_start3A_96 = tpu.memref_slice %arg7[%dma_start3A, %add3A_92] : memref<2x260000xi32, #tpu.memory_space<hbm>> -> memref<1x224xi32, #tpu.memory_space<hbm>>
        %dma_start3A_97 = tpu.memref_squeeze %dma_start3A_96 : memref<1x224xi32, #tpu.memory_space<hbm>> -> memref<224xi32, #tpu.memory_space<hbm>>
        %dma_start3A_98 = tpu.memref_slice %arg11[%mul3A_86] : memref<3136xi32, #tpu.memory_space<vmem>> -> memref<224xi32, #tpu.memory_space<vmem>>
        tpu.enqueue_dma source(%dma_start3A_98 : memref<224xi32, #tpu.memory_space<vmem>>) target(%dma_start3A_97 : memref<224xi32, #tpu.memory_space<hbm>>) target_semaphore(%arg17 : memref<!tpu.dma_semaphore, #tpu.memory_space<semaphore_mem>>)
        %mul3A_99 = arith.constant 2 : i32
        %mul3A_100 = arith.muli %mul3A_99, %mul3A_88 : i32
        %add3A_101 = arith.constant 160000 : i32
        %add3A_102 = arith.addi %add3A_101, %mul3A_100 : i32
        %dma_start3A_103 = arith.constant 1 : i32
        %dma_start3A_104 = tpu.memref_slice %arg12[%mul3A_86] : memref<3136xi32, #tpu.memory_space<vmem>> -> memref<224xi32, #tpu.memory_space<vmem>>
        %dma_start3A_105 = tpu.memref_slice %arg7[%dma_start3A_103, %add3A_102] : memref<2x260000xi32, #tpu.memory_space<hbm>> -> memref<1x224xi32, #tpu.memory_space<hbm>>
        %dma_start3A_106 = tpu.memref_squeeze %dma_start3A_105 : memref<1x224xi32, #tpu.memory_space<hbm>> -> memref<224xi32, #tpu.memory_space<hbm>>
        %dma_start3A_107 = tpu.memref_slice %arg7[%dma_start3A_103, %add3A_102] : memref<2x260000xi32, #tpu.memory_space<hbm>> -> memref<1x224xi32, #tpu.memory_space<hbm>>
        %dma_start3A_108 = tpu.memref_squeeze %dma_start3A_107 : memref<1x224xi32, #tpu.memory_space<hbm>> -> memref<224xi32, #tpu.memory_space<hbm>>
        %dma_start3A_109 = tpu.memref_slice %arg12[%mul3A_86] : memref<3136xi32, #tpu.memory_space<vmem>> -> memref<224xi32, #tpu.memory_space<vmem>>
        tpu.enqueue_dma source(%dma_start3A_109 : memref<224xi32, #tpu.memory_space<vmem>>) target(%dma_start3A_108 : memref<224xi32, #tpu.memory_space<hbm>>) target_semaphore(%arg17 : memref<!tpu.dma_semaphore, #tpu.memory_space<semaphore_mem>>)
        %sub3A = arith.subi %scan3A_32, %mul3A_88 : i32
        %jit3A = arith.constant 0 : i32
        %jit3A_110 = arith.constant 112 : i32
        %max3A = arith.maxsi %jit3A, %sub3A : i32
        %min3A = arith.minsi %jit3A_110, %max3A : i32
        %gt3A = arith.constant 0 : i32
        %gt3A_111 = arith.cmpi sgt, %min3A, %gt3A : i32
        %convert_element_type3A_112 = arith.extui %gt3A_111 : i1 to i32
        %cond3A_113 = arith.constant 0 : i32
        %cond3A_114 = arith.cmpi ne, %convert_element_type3A_112, %cond3A_113 : i32
        scf.if %cond3A_114 {
          %dma_start3A_115 = arith.constant 0 : i32
          %dma_start3A_116 = arith.constant 0 : i32
          %dma_start3A_117 = tpu.memref_slice %arg15[%dma_start3A_115, %dma_start3A_116] : memref<224x128xf32, #tpu.memory_space<vmem>> -> memref<112x128xf32, #tpu.memory_space<vmem>>
          %dma_start3A_118 = tpu.memref_slice %arg10[%mul3A_86] : memref<3136xi32, #tpu.memory_space<vmem>> -> memref<112xi32, #tpu.memory_space<vmem>>
          %dma_start3A_119 = arith.constant 0 : i32
          %dma_start3A_120 = arith.constant 0 : i32
          %dma_start3A_121 = tpu.memref_slice %arg5[%dma_start3A_119, %dma_start3A_120] : memref<100000x128xf32, #tpu.memory_space<hbm>> -> memref<100000x128xf32, #tpu.memory_space<hbm>>
          tpu.enqueue_indirect_dma source(%dma_start3A_121 : memref<100000x128xf32, #tpu.memory_space<hbm>>) target(%dma_start3A_117 : memref<112x128xf32, #tpu.memory_space<vmem>>) offsets(%dma_start3A_118 : memref<112xi32, #tpu.memory_space<vmem>>) semaphore(%arg16 : memref<!tpu.dma_semaphore, #tpu.memory_space<semaphore_mem>>)
          %add3A_122 = arith.constant 112 : i32
          %add3A_123 = arith.addi %mul3A_86, %add3A_122 : i32
          %dma_start3A_124 = arith.constant 112 : i32
          %dma_start3A_125 = arith.constant 0 : i32
          %dma_start3A_126 = tpu.memref_slice %arg15[%dma_start3A_124, %dma_start3A_125] : memref<224x128xf32, #tpu.memory_space<vmem>> -> memref<112x128xf32, #tpu.memory_space<vmem>>
          %dma_start3A_127 = tpu.memref_slice %arg10[%add3A_123] : memref<3136xi32, #tpu.memory_space<vmem>> -> memref<112xi32, #tpu.memory_space<vmem>>
          %dma_start3A_128 = arith.constant 0 : i32
          %dma_start3A_129 = arith.constant 0 : i32
          %dma_start3A_130 = tpu.memref_slice %arg5[%dma_start3A_128, %dma_start3A_129] : memref<100000x128xf32, #tpu.memory_space<hbm>> -> memref<100000x128xf32, #tpu.memory_space<hbm>>
          tpu.enqueue_indirect_dma source(%dma_start3A_130 : memref<100000x128xf32, #tpu.memory_space<hbm>>) target(%dma_start3A_126 : memref<112x128xf32, #tpu.memory_space<vmem>>) offsets(%dma_start3A_127 : memref<112xi32, #tpu.memory_space<vmem>>) semaphore(%arg16 : memref<!tpu.dma_semaphore, #tpu.memory_space<semaphore_mem>>)
          %dma_wait3A = arith.constant 0 : i32
          %dma_wait3A_131 = arith.constant 0 : i32
          %dma_wait3A_132 = tpu.memref_slice %arg15[%dma_wait3A, %dma_wait3A_131] : memref<224x128xf32, #tpu.memory_space<vmem>> -> memref<112x128xf32, #tpu.memory_space<vmem>>
          %dma_wait3A_133 = tpu.memref_slice %arg10[%mul3A_86] : memref<3136xi32, #tpu.memory_space<vmem>> -> memref<112xi32, #tpu.memory_space<vmem>>
          %dma_wait3A_134 = arith.constant 0 : i32
          %dma_wait3A_135 = arith.constant 0 : i32
          %dma_wait3A_136 = tpu.memref_slice %arg5[%dma_wait3A_134, %dma_wait3A_135] : memref<100000x128xf32, #tpu.memory_space<hbm>> -> memref<100000x128xf32, #tpu.memory_space<hbm>>
          tpu.wait_indirect_dma semaphore(%arg16 : memref<!tpu.dma_semaphore, #tpu.memory_space<semaphore_mem>>) src(%dma_wait3A_136 : memref<100000x128xf32, #tpu.memory_space<hbm>>) dst(%dma_wait3A_132 : memref<112x128xf32, #tpu.memory_space<vmem>>)
          %dma_wait3A_137 = arith.constant 112 : i32
          %dma_wait3A_138 = arith.constant 0 : i32
          %dma_wait3A_139 = tpu.memref_slice %arg15[%dma_wait3A_137, %dma_wait3A_138] : memref<224x128xf32, #tpu.memory_space<vmem>> -> memref<112x128xf32, #tpu.memory_space<vmem>>
          %dma_wait3A_140 = tpu.memref_slice %arg10[%add3A_123] : memref<3136xi32, #tpu.memory_space<vmem>> -> memref<112xi32, #tpu.memory_space<vmem>>
          %dma_wait3A_141 = arith.constant 0 : i32
          %dma_wait3A_142 = arith.constant 0 : i32
          %dma_wait3A_143 = tpu.memref_slice %arg5[%dma_wait3A_141, %dma_wait3A_142] : memref<100000x128xf32, #tpu.memory_space<hbm>> -> memref<100000x128xf32, #tpu.memory_space<hbm>>
          tpu.wait_indirect_dma semaphore(%arg16 : memref<!tpu.dma_semaphore, #tpu.memory_space<semaphore_mem>>) src(%dma_wait3A_143 : memref<100000x128xf32, #tpu.memory_space<hbm>>) dst(%dma_wait3A_139 : memref<112x128xf32, #tpu.memory_space<vmem>>)
          %lt3A_144 = arith.constant 112 : i32
          %lt3A_145 = arith.cmpi slt, %min3A, %lt3A_144 : i32
          %convert_element_type3A_146 = arith.extui %lt3A_145 : i1 to i32
          %cond3A_147 = arith.constant 0 : i32
          %cond3A_148 = arith.cmpi ne, %convert_element_type3A_146, %cond3A_147 : i32
          scf.if %cond3A_148 {
            %scan3A_153 = arith.constant 0 : i32
            %scan3A_154 = arith.constant 0 : i32
            %scan3A_155 = arith.constant 224 : i32
            %scan3A_156 = arith.addi %scan3A_154, %scan3A_155 : i32
            %scan3A_157 = arith.constant 1 : i32
            %scan3A_158 = scf.for %scan3A_160 = %scan3A_154 to %scan3A_156 step %scan3A_157 iter_args(%scan3A_161 = %scan3A_153) -> (i32)  : i32 {
              %shift_right_arithmetic3A = arith.constant 4 : i32
              %shift_right_arithmetic3A_162 = arith.shrsi %scan3A_160, %shift_right_arithmetic3A : i32
              %mul3A_163 = arith.constant 8 : i32
              %mul3A_164 = arith.muli %shift_right_arithmetic3A_162, %mul3A_163 : i32
              %add3A_165 = arith.addi %mul3A_88, %mul3A_164 : i32
              %and3A = arith.constant 7 : i32
              %and3A_166 = arith.andi %scan3A_160, %and3A : i32
              %add3A_167 = arith.addi %add3A_165, %and3A_166 : i32
              %ge3A = arith.cmpi sge, %add3A_167, %scan3A_32 : i32
              %convert_element_type3A_168 = arith.extui %ge3A : i1 to i32
              %cond3A_169 = arith.constant 0 : i32
              %cond3A_170 = arith.cmpi ne, %convert_element_type3A_168, %cond3A_169 : i32
              scf.if %cond3A_170 {
                %swap3A = arith.constant 0 : i32
                %swap3A_172 = tpu.memref_slice %arg15[%scan3A_160, %swap3A] : memref<224x128xf32, #tpu.memory_space<vmem>> -> memref<1x128xf32, #tpu.memory_space<vmem>>
                %swap3A_173 = tpu.memref_squeeze %swap3A_172 : memref<1x128xf32, #tpu.memory_space<vmem>> -> memref<128xf32, #tpu.memory_space<vmem>>
                %swap3A_174 = arith.constant 0 : index
                %swap3A_175 = tpu.vector_load %swap3A_173[%swap3A_174] {strides = array<i32>} : memref<128xf32, #tpu.memory_space<vmem>>, vector<16xf32>,
                tpu.vector_store %swap3A_173[%swap3A_174], %broadcast_in_dim3A_1 {strides = array<i32>} : memref<128xf32, #tpu.memory_space<vmem>>, vector<16xf32>,
                %swap3A_176 = arith.constant 0 : i32
                %swap3A_177 = tpu.memref_slice %arg15[%scan3A_160, %swap3A_176] : memref<224x128xf32, #tpu.memory_space<vmem>> -> memref<1x128xf32, #tpu.memory_space<vmem>>
                %swap3A_178 = tpu.memref_squeeze %swap3A_177 : memref<1x128xf32, #tpu.memory_space<vmem>> -> memref<128xf32, #tpu.memory_space<vmem>>
                %swap3A_179 = arith.constant 16 : index
                %swap3A_180 = tpu.vector_load %swap3A_178[%swap3A_179] {strides = array<i32>} : memref<128xf32, #tpu.memory_space<vmem>>, vector<16xf32>,
                tpu.vector_store %swap3A_178[%swap3A_179], %broadcast_in_dim3A_1 {strides = array<i32>} : memref<128xf32, #tpu.memory_space<vmem>>, vector<16xf32>,
                %swap3A_181 = arith.constant 0 : i32
                %swap3A_182 = tpu.memref_slice %arg15[%scan3A_160, %swap3A_181] : memref<224x128xf32, #tpu.memory_space<vmem>> -> memref<1x128xf32, #tpu.memory_space<vmem>>
                %swap3A_183 = tpu.memref_squeeze %swap3A_182 : memref<1x128xf32, #tpu.memory_space<vmem>> -> memref<128xf32, #tpu.memory_space<vmem>>
                %swap3A_184 = arith.constant 32 : index
                %swap3A_185 = tpu.vector_load %swap3A_183[%swap3A_184] {strides = array<i32>} : memref<128xf32, #tpu.memory_space<vmem>>, vector<16xf32>,
                tpu.vector_store %swap3A_183[%swap3A_184], %broadcast_in_dim3A_1 {strides = array<i32>} : memref<128xf32, #tpu.memory_space<vmem>>, vector<16xf32>,
                %swap3A_186 = arith.constant 0 : i32
                %swap3A_187 = tpu.memref_slice %arg15[%scan3A_160, %swap3A_186] : memref<224x128xf32, #tpu.memory_space<vmem>> -> memref<1x128xf32, #tpu.memory_space<vmem>>
                %swap3A_188 = tpu.memref_squeeze %swap3A_187 : memref<1x128xf32, #tpu.memory_space<vmem>> -> memref<128xf32, #tpu.memory_space<vmem>>
                %swap3A_189 = arith.constant 48 : index
                %swap3A_190 = tpu.vector_load %swap3A_188[%swap3A_189] {strides = array<i32>} : memref<128xf32, #tpu.memory_space<vmem>>, vector<16xf32>,
                tpu.vector_store %swap3A_188[%swap3A_189], %broadcast_in_dim3A_1 {strides = array<i32>} : memref<128xf32, #tpu.memory_space<vmem>>, vector<16xf32>,
                %swap3A_191 = arith.constant 0 : i32
                %swap3A_192 = tpu.memref_slice %arg15[%scan3A_160, %swap3A_191] : memref<224x128xf32, #tpu.memory_space<vmem>> -> memref<1x128xf32, #tpu.memory_space<vmem>>
                %swap3A_193 = tpu.memref_squeeze %swap3A_192 : memref<1x128xf32, #tpu.memory_space<vmem>> -> memref<128xf32, #tpu.memory_space<vmem>>
                %swap3A_194 = arith.constant 64 : index
                %swap3A_195 = tpu.vector_load %swap3A_193[%swap3A_194] {strides = array<i32>} : memref<128xf32, #tpu.memory_space<vmem>>, vector<16xf32>,
                tpu.vector_store %swap3A_193[%swap3A_194], %broadcast_in_dim3A_1 {strides = array<i32>} : memref<128xf32, #tpu.memory_space<vmem>>, vector<16xf32>,
                %swap3A_196 = arith.constant 0 : i32
                %swap3A_197 = tpu.memref_slice %arg15[%scan3A_160, %swap3A_196] : memref<224x128xf32, #tpu.memory_space<vmem>> -> memref<1x128xf32, #tpu.memory_space<vmem>>
                %swap3A_198 = tpu.memref_squeeze %swap3A_197 : memref<1x128xf32, #tpu.memory_space<vmem>> -> memref<128xf32, #tpu.memory_space<vmem>>
                %swap3A_199 = arith.constant 80 : index
                %swap3A_200 = tpu.vector_load %swap3A_198[%swap3A_199] {strides = array<i32>} : memref<128xf32, #tpu.memory_space<vmem>>, vector<16xf32>,
                tpu.vector_store %swap3A_198[%swap3A_199], %broadcast_in_dim3A_1 {strides = array<i32>} : memref<128xf32, #tpu.memory_space<vmem>>, vector<16xf32>,
                %swap3A_201 = arith.constant 0 : i32
                %swap3A_202 = tpu.memref_slice %arg15[%scan3A_160, %swap3A_201] : memref<224x128xf32, #tpu.memory_space<vmem>> -> memref<1x128xf32, #tpu.memory_space<vmem>>
                %swap3A_203 = tpu.memref_squeeze %swap3A_202 : memref<1x128xf32, #tpu.memory_space<vmem>> -> memref<128xf32, #tpu.memory_space<vmem>>
                %swap3A_204 = arith.constant 96 : index
                %swap3A_205 = tpu.vector_load %swap3A_203[%swap3A_204] {strides = array<i32>} : memref<128xf32, #tpu.memory_space<vmem>>, vector<16xf32>,
                tpu.vector_store %swap3A_203[%swap3A_204], %broadcast_in_dim3A_1 {strides = array<i32>} : memref<128xf32, #tpu.memory_space<vmem>>, vector<16xf32>,
                %swap3A_206 = arith.constant 0 : i32
                %swap3A_207 = tpu.memref_slice %arg15[%scan3A_160, %swap3A_206] : memref<224x128xf32, #tpu.memory_space<vmem>> -> memref<1x128xf32, #tpu.memory_space<vmem>>
                %swap3A_208 = tpu.memref_squeeze %swap3A_207 : memref<1x128xf32, #tpu.memory_space<vmem>> -> memref<128xf32, #tpu.memory_space<vmem>>
                %swap3A_209 = arith.constant 112 : index
                %swap3A_210 = tpu.vector_load %swap3A_208[%swap3A_209] {strides = array<i32>} : memref<128xf32, #tpu.memory_space<vmem>>, vector<16xf32>,
                tpu.vector_store %swap3A_208[%swap3A_209], %broadcast_in_dim3A_1 {strides = array<i32>} : memref<128xf32, #tpu.memory_space<vmem>>, vector<16xf32>,
              } else {
              }
              %scan3A_171 = arith.constant 0 : i32
              scf.yield %scan3A_171 : i32
            }
            %scan3A_159 = arith.constant 224 : i32
          } else {
          }
          %mul3A_149 = arith.constant 2 : i32
          %mul3A_150 = arith.muli %mul3A_149, %mul3A_88 : i32
          %add3A_151 = arith.constant 20000 : i32
          %add3A_152 = arith.addi %add3A_151, %mul3A_150 : i32
          "tpu.region"() ({
            %run_scoped3A_153 = tpu.sem_alloc : memref<!tpu.dma_semaphore, #tpu.memory_space<semaphore_mem>>
            %dma_start3A_154 = arith.constant 0 : i32
            %dma_start3A_155 = arith.constant 0 : i32
            %dma_start3A_156 = tpu.memref_slice %arg15[%dma_start3A_154, %dma_start3A_155] : memref<224x128xf32, #tpu.memory_space<vmem>> -> memref<224x128xf32, #tpu.memory_space<vmem>>
            %dma_start3A_157 = arith.constant 0 : i32
            %dma_start3A_158 = tpu.memref_slice %arg6[%add3A_152, %dma_start3A_157] : memref<120000x128xf32, #tpu.memory_space<hbm>> -> memref<224x128xf32, #tpu.memory_space<hbm>>
            %dma_start3A_159 = arith.constant 0 : i32
            %dma_start3A_160 = tpu.memref_slice %arg6[%add3A_152, %dma_start3A_159] : memref<120000x128xf32, #tpu.memory_space<hbm>> -> memref<224x128xf32, #tpu.memory_space<hbm>>
            %dma_start3A_161 = arith.constant 0 : i32
            %dma_start3A_162 = arith.constant 0 : i32
            %dma_start3A_163 = tpu.memref_slice %arg15[%dma_start3A_161, %dma_start3A_162] : memref<224x128xf32, #tpu.memory_space<vmem>> -> memref<224x128xf32, #tpu.memory_space<vmem>>
            tpu.enqueue_dma source(%dma_start3A_163 : memref<224x128xf32, #tpu.memory_space<vmem>>) target(%dma_start3A_160 : memref<224x128xf32, #tpu.memory_space<hbm>>) target_semaphore(%run_scoped3A_153 : memref<!tpu.dma_semaphore, #tpu.memory_space<semaphore_mem>>)
            %dma_wait3A_164 = arith.constant 0 : i32
            %dma_wait3A_165 = arith.constant 0 : i32
            %dma_wait3A_166 = tpu.memref_slice %arg15[%dma_wait3A_164, %dma_wait3A_165] : memref<224x128xf32, #tpu.memory_space<vmem>> -> memref<224x128xf32, #tpu.memory_space<vmem>>
            %dma_wait3A_167 = arith.constant 0 : i32
            %dma_wait3A_168 = tpu.memref_slice %arg6[%add3A_152, %dma_wait3A_167] : memref<120000x128xf32, #tpu.memory_space<hbm>> -> memref<224x128xf32, #tpu.memory_space<hbm>>
            %dma_wait3A_169 = arith.constant 0 : i32
            %dma_wait3A_170 = tpu.memref_slice %arg6[%add3A_152, %dma_wait3A_169] : memref<120000x128xf32, #tpu.memory_space<hbm>> -> memref<224x128xf32, #tpu.memory_space<hbm>>
            %dma_wait3A_171 = arith.constant 0 : i32
            %dma_wait3A_172 = arith.constant 0 : i32
            %dma_wait3A_173 = tpu.memref_slice %arg15[%dma_wait3A_171, %dma_wait3A_172] : memref<224x128xf32, #tpu.memory_space<vmem>> -> memref<224x128xf32, #tpu.memory_space<vmem>>
            tpu.wait_dma2 semaphore(%run_scoped3A_153 : memref<!tpu.dma_semaphore, #tpu.memory_space<semaphore_mem>>) src(%dma_wait3A_173 : memref<224x128xf32, #tpu.memory_space<vmem>>) dst(%dma_wait3A_170 : memref<224x128xf32, #tpu.memory_space<hbm>>)
            tpu.yield
          }) : () -> ()
        } else {
          %mul3A_115 = arith.constant 2 : i32
          %mul3A_116 = arith.muli %mul3A_115, %mul3A_88 : i32
          %add3A_117 = arith.constant 20000 : i32
          %add3A_118 = arith.addi %add3A_117, %mul3A_116 : i32
          %dma_start3A_119 = arith.constant 0 : i32
          %dma_start3A_120 = arith.constant 0 : i32
          %dma_start3A_121 = tpu.memref_slice %arg14[%dma_start3A_119, %dma_start3A_120] : memref<224x128xf32, #tpu.memory_space<vmem>> -> memref<224x128xf32, #tpu.memory_space<vmem>>
          %dma_start3A_122 = arith.constant 0 : i32
          %dma_start3A_123 = tpu.memref_slice %arg6[%add3A_118, %dma_start3A_122] : memref<120000x128xf32, #tpu.memory_space<hbm>> -> memref<224x128xf32, #tpu.memory_space<hbm>>
          %dma_start3A_124 = arith.constant 0 : i32
          %dma_start3A_125 = tpu.memref_slice %arg6[%add3A_118, %dma_start3A_124] : memref<120000x128xf32, #tpu.memory_space<hbm>> -> memref<224x128xf32, #tpu.memory_space<hbm>>
          %dma_start3A_126 = arith.constant 0 : i32
          %dma_start3A_127 = arith.constant 0 : i32
          %dma_start3A_128 = tpu.memref_slice %arg14[%dma_start3A_126, %dma_start3A_127] : memref<224x128xf32, #tpu.memory_space<vmem>> -> memref<224x128xf32, #tpu.memory_space<vmem>>
          tpu.enqueue_dma source(%dma_start3A_128 : memref<224x128xf32, #tpu.memory_space<vmem>>) target(%dma_start3A_125 : memref<224x128xf32, #tpu.memory_space<hbm>>) target_semaphore(%arg17 : memref<!tpu.dma_semaphore, #tpu.memory_space<semaphore_mem>>)
        }
      } else {
        %eq3A_74 = arith.constant 446 : i32
        %eq3A_75 = arith.cmpi eq, %add3A_68, %eq3A_74 : i32
        %convert_element_type3A_76 = arith.extui %eq3A_75 : i1 to i32
        %cond3A_77 = arith.constant 0 : i32
        %cond3A_78 = arith.cmpi ne, %convert_element_type3A_76, %cond3A_77 : i32
        scf.if %cond3A_78 {
          %mul3A_79 = arith.constant 224 : i32
          %mul3A_80 = arith.muli %scan3A_64, %mul3A_79 : i32
          %mul3A_81 = arith.constant 112 : i32
          %mul3A_82 = arith.muli %add3A_68, %mul3A_81 : i32
          %scan3A_83 = arith.constant 0 : i32
          %scan3A_84 = arith.constant 0 : i32
          %scan3A_85 = arith.constant 3 : i32
          %scan3A_86 = arith.addi %scan3A_84, %scan3A_85 : i32
          %scan3A_87 = arith.constant 1 : i32
          %scan3A_88 = scf.for %scan3A_120 = %scan3A_84 to %scan3A_86 step %scan3A_87 iter_args(%scan3A_121 = %scan3A_83) -> (i32)  : i32 {
            %mul3A_122 = arith.constant 16 : i32
            %mul3A_123 = arith.muli %scan3A_120, %mul3A_122 : i32
            %add3A_124 = arith.addi %mul3A_82, %mul3A_123 : i32
            %add3A_125 = vector.broadcast %add3A_124 : i32 to vector<16xi32>
            %add3A_126 = arith.addi %add3A_125, %iota3A : vector<16xi32>
            %broadcast_in_dim3A_127 = arith.constant 0 : i32
            %broadcast_in_dim3A_128 = vector.broadcast %broadcast_in_dim3A_127 : i32 to vector<16xi32>
            %add3A_129 = arith.constant 8191 : i32
            %add3A_130 = vector.broadcast %add3A_129 : i32 to vector<16xi32>
            %add3A_131 = arith.addi %broadcast_in_dim3A_128, %add3A_130 : vector<16xi32>
            %gather3A = tpu.vector_load_idx %arg9[%add3A_131] : memref<12288xi32, #tpu.memory_space<vmem>>[vector<16xi32>], vector<16xi32>,
            %le3A = arith.cmpi sle, %gather3A, %add3A_126 : vector<16xi32>
            %add3A_132 = arith.constant 8192 : i32
            %add3A_133 = vector.broadcast %add3A_132 : i32 to vector<16xi32>
            %add3A_134 = arith.addi %broadcast_in_dim3A_128, %add3A_133 : vector<16xi32>
            %select_n3A = arith.select %le3A, %add3A_134, %broadcast_in_dim3A_128 : vector<16xi1>, vector<16xi32>
            %add3A_135 = arith.constant 4095 : i32
            %add3A_136 = vector.broadcast %add3A_135 : i32 to vector<16xi32>
            %add3A_137 = arith.addi %select_n3A, %add3A_136 : vector<16xi32>
            %gather3A_138 = tpu.vector_load_idx %arg9[%add3A_137] : memref<12288xi32, #tpu.memory_space<vmem>>[vector<16xi32>], vector<16xi32>,
            %le3A_139 = arith.cmpi sle, %gather3A_138, %add3A_126 : vector<16xi32>
            %add3A_140 = arith.constant 4096 : i32
            %add3A_141 = vector.broadcast %add3A_140 : i32 to vector<16xi32>
            %add3A_142 = arith.addi %select_n3A, %add3A_141 : vector<16xi32>
            %select_n3A_143 = arith.select %le3A_139, %add3A_142, %select_n3A : vector<16xi1>, vector<16xi32>
            %add3A_144 = arith.constant 2047 : i32
            %add3A_145 = vector.broadcast %add3A_144 : i32 to vector<16xi32>
            %add3A_146 = arith.addi %select_n3A_143, %add3A_145 : vector<16xi32>
            %gather3A_147 = tpu.vector_load_idx %arg9[%add3A_146] : memref<12288xi32, #tpu.memory_space<vmem>>[vector<16xi32>], vector<16xi32>,
            %le3A_148 = arith.cmpi sle, %gather3A_147, %add3A_126 : vector<16xi32>
            %add3A_149 = arith.constant 2048 : i32
            %add3A_150 = vector.broadcast %add3A_149 : i32 to vector<16xi32>
            %add3A_151 = arith.addi %select_n3A_143, %add3A_150 : vector<16xi32>
            %select_n3A_152 = arith.select %le3A_148, %add3A_151, %select_n3A_143 : vector<16xi1>, vector<16xi32>
            %add3A_153 = arith.constant 1023 : i32
            %add3A_154 = vector.broadcast %add3A_153 : i32 to vector<16xi32>
            %add3A_155 = arith.addi %select_n3A_152, %add3A_154 : vector<16xi32>
            %gather3A_156 = tpu.vector_load_idx %arg9[%add3A_155] : memref<12288xi32, #tpu.memory_space<vmem>>[vector<16xi32>], vector<16xi32>,
            %le3A_157 = arith.cmpi sle, %gather3A_156, %add3A_126 : vector<16xi32>
            %add3A_158 = arith.constant 1024 : i32
            %add3A_159 = vector.broadcast %add3A_158 : i32 to vector<16xi32>
            %add3A_160 = arith.addi %select_n3A_152, %add3A_159 : vector<16xi32>
            %select_n3A_161 = arith.select %le3A_157, %add3A_160, %select_n3A_152 : vector<16xi1>, vector<16xi32>
            %add3A_162 = arith.constant 511 : i32
            %add3A_163 = vector.broadcast %add3A_162 : i32 to vector<16xi32>
            %add3A_164 = arith.addi %select_n3A_161, %add3A_163 : vector<16xi32>
            %gather3A_165 = tpu.vector_load_idx %arg9[%add3A_164] : memref<12288xi32, #tpu.memory_space<vmem>>[vector<16xi32>], vector<16xi32>,
            %le3A_166 = arith.cmpi sle, %gather3A_165, %add3A_126 : vector<16xi32>
            %add3A_167 = arith.constant 512 : i32
            %add3A_168 = vector.broadcast %add3A_167 : i32 to vector<16xi32>
            %add3A_169 = arith.addi %select_n3A_161, %add3A_168 : vector<16xi32>
            %select_n3A_170 = arith.select %le3A_166, %add3A_169, %select_n3A_161 : vector<16xi1>, vector<16xi32>
            %add3A_171 = arith.constant 255 : i32
            %add3A_172 = vector.broadcast %add3A_171 : i32 to vector<16xi32>
            %add3A_173 = arith.addi %select_n3A_170, %add3A_172 : vector<16xi32>
            %gather3A_174 = tpu.vector_load_idx %arg9[%add3A_173] : memref<12288xi32, #tpu.memory_space<vmem>>[vector<16xi32>], vector<16xi32>,
            %le3A_175 = arith.cmpi sle, %gather3A_174, %add3A_126 : vector<16xi32>
            %add3A_176 = arith.constant 256 : i32
            %add3A_177 = vector.broadcast %add3A_176 : i32 to vector<16xi32>
            %add3A_178 = arith.addi %select_n3A_170, %add3A_177 : vector<16xi32>
            %select_n3A_179 = arith.select %le3A_175, %add3A_178, %select_n3A_170 : vector<16xi1>, vector<16xi32>
            %add3A_180 = arith.constant 127 : i32
            %add3A_181 = vector.broadcast %add3A_180 : i32 to vector<16xi32>
            %add3A_182 = arith.addi %select_n3A_179, %add3A_181 : vector<16xi32>
            %gather3A_183 = tpu.vector_load_idx %arg9[%add3A_182] : memref<12288xi32, #tpu.memory_space<vmem>>[vector<16xi32>], vector<16xi32>,
            %le3A_184 = arith.cmpi sle, %gather3A_183, %add3A_126 : vector<16xi32>
            %add3A_185 = arith.constant 128 : i32
            %add3A_186 = vector.broadcast %add3A_185 : i32 to vector<16xi32>
            %add3A_187 = arith.addi %select_n3A_179, %add3A_186 : vector<16xi32>
            %select_n3A_188 = arith.select %le3A_184, %add3A_187, %select_n3A_179 : vector<16xi1>, vector<16xi32>
            %add3A_189 = arith.constant 63 : i32
            %add3A_190 = vector.broadcast %add3A_189 : i32 to vector<16xi32>
            %add3A_191 = arith.addi %select_n3A_188, %add3A_190 : vector<16xi32>
            %gather3A_192 = tpu.vector_load_idx %arg9[%add3A_191] : memref<12288xi32, #tpu.memory_space<vmem>>[vector<16xi32>], vector<16xi32>,
            %le3A_193 = arith.cmpi sle, %gather3A_192, %add3A_126 : vector<16xi32>
            %add3A_194 = arith.constant 64 : i32
            %add3A_195 = vector.broadcast %add3A_194 : i32 to vector<16xi32>
            %add3A_196 = arith.addi %select_n3A_188, %add3A_195 : vector<16xi32>
            %select_n3A_197 = arith.select %le3A_193, %add3A_196, %select_n3A_188 : vector<16xi1>, vector<16xi32>
            %add3A_198 = arith.constant 31 : i32
            %add3A_199 = vector.broadcast %add3A_198 : i32 to vector<16xi32>
            %add3A_200 = arith.addi %select_n3A_197, %add3A_199 : vector<16xi32>
            %gather3A_201 = tpu.vector_load_idx %arg9[%add3A_200] : memref<12288xi32, #tpu.memory_space<vmem>>[vector<16xi32>], vector<16xi32>,
            %le3A_202 = arith.cmpi sle, %gather3A_201, %add3A_126 : vector<16xi32>
            %add3A_203 = arith.constant 32 : i32
            %add3A_204 = vector.broadcast %add3A_203 : i32 to vector<16xi32>
            %add3A_205 = arith.addi %select_n3A_197, %add3A_204 : vector<16xi32>
            %select_n3A_206 = arith.select %le3A_202, %add3A_205, %select_n3A_197 : vector<16xi1>, vector<16xi32>
            %add3A_207 = arith.constant 15 : i32
            %add3A_208 = vector.broadcast %add3A_207 : i32 to vector<16xi32>
            %add3A_209 = arith.addi %select_n3A_206, %add3A_208 : vector<16xi32>
            %gather3A_210 = tpu.vector_load_idx %arg9[%add3A_209] : memref<12288xi32, #tpu.memory_space<vmem>>[vector<16xi32>], vector<16xi32>,
            %le3A_211 = arith.cmpi sle, %gather3A_210, %add3A_126 : vector<16xi32>
            %add3A_212 = arith.constant 16 : i32
            %add3A_213 = vector.broadcast %add3A_212 : i32 to vector<16xi32>
            %add3A_214 = arith.addi %select_n3A_206, %add3A_213 : vector<16xi32>
            %select_n3A_215 = arith.select %le3A_211, %add3A_214, %select_n3A_206 : vector<16xi1>, vector<16xi32>
            %add3A_216 = arith.constant 7 : i32
            %add3A_217 = vector.broadcast %add3A_216 : i32 to vector<16xi32>
            %add3A_218 = arith.addi %select_n3A_215, %add3A_217 : vector<16xi32>
            %gather3A_219 = tpu.vector_load_idx %arg9[%add3A_218] : memref<12288xi32, #tpu.memory_space<vmem>>[vector<16xi32>], vector<16xi32>,
            %le3A_220 = arith.cmpi sle, %gather3A_219, %add3A_126 : vector<16xi32>
            %add3A_221 = arith.constant 8 : i32
            %add3A_222 = vector.broadcast %add3A_221 : i32 to vector<16xi32>
            %add3A_223 = arith.addi %select_n3A_215, %add3A_222 : vector<16xi32>
            %select_n3A_224 = arith.select %le3A_220, %add3A_223, %select_n3A_215 : vector<16xi1>, vector<16xi32>
            %add3A_225 = arith.constant 3 : i32
            %add3A_226 = vector.broadcast %add3A_225 : i32 to vector<16xi32>
            %add3A_227 = arith.addi %select_n3A_224, %add3A_226 : vector<16xi32>
            %gather3A_228 = tpu.vector_load_idx %arg9[%add3A_227] : memref<12288xi32, #tpu.memory_space<vmem>>[vector<16xi32>], vector<16xi32>,
            %le3A_229 = arith.cmpi sle, %gather3A_228, %add3A_126 : vector<16xi32>
            %add3A_230 = arith.constant 4 : i32
            %add3A_231 = vector.broadcast %add3A_230 : i32 to vector<16xi32>
            %add3A_232 = arith.addi %select_n3A_224, %add3A_231 : vector<16xi32>
            %select_n3A_233 = arith.select %le3A_229, %add3A_232, %select_n3A_224 : vector<16xi1>, vector<16xi32>
            %add3A_234 = arith.constant 1 : i32
            %add3A_235 = vector.broadcast %add3A_234 : i32 to vector<16xi32>
            %add3A_236 = arith.addi %select_n3A_233, %add3A_235 : vector<16xi32>
            %gather3A_237 = tpu.vector_load_idx %arg9[%add3A_236] : memref<12288xi32, #tpu.memory_space<vmem>>[vector<16xi32>], vector<16xi32>,
            %le3A_238 = arith.cmpi sle, %gather3A_237, %add3A_126 : vector<16xi32>
            %add3A_239 = arith.constant 2 : i32
            %add3A_240 = vector.broadcast %add3A_239 : i32 to vector<16xi32>
            %add3A_241 = arith.addi %select_n3A_233, %add3A_240 : vector<16xi32>
            %select_n3A_242 = arith.select %le3A_238, %add3A_241, %select_n3A_233 : vector<16xi1>, vector<16xi32>
            %add3A_243 = arith.constant 0 : i32
            %add3A_244 = vector.broadcast %add3A_243 : i32 to vector<16xi32>
            %add3A_245 = arith.addi %select_n3A_242, %add3A_244 : vector<16xi32>
            %gather3A_246 = tpu.vector_load_idx %arg9[%add3A_245] : memref<12288xi32, #tpu.memory_space<vmem>>[vector<16xi32>], vector<16xi32>,
            %le3A_247 = arith.cmpi sle, %gather3A_246, %add3A_126 : vector<16xi32>
            %add3A_248 = arith.constant 1 : i32
            %add3A_249 = vector.broadcast %add3A_248 : i32 to vector<16xi32>
            %add3A_250 = arith.addi %select_n3A_242, %add3A_249 : vector<16xi32>
            %select_n3A_251 = arith.select %le3A_247, %add3A_250, %select_n3A_242 : vector<16xi1>, vector<16xi32>
            %sub3A_252 = arith.constant 1 : i32
            %sub3A_253 = vector.broadcast %sub3A_252 : i32 to vector<16xi32>
            %sub3A_254 = arith.subi %select_n3A_251, %sub3A_253 : vector<16xi32>
            %gather3A_255 = tpu.vector_load_idx %arg9[%sub3A_254] : memref<12288xi32, #tpu.memory_space<vmem>>[vector<16xi32>], vector<16xi32>,
            %sub3A_256 = arith.subi %add3A_126, %gather3A_255 : vector<16xi32>
            %lt3A_257 = vector.broadcast %scan3A_32 : i32 to vector<16xi32>
            %lt3A_258 = arith.cmpi slt, %add3A_126, %lt3A_257 : vector<16xi32>
            %shift_right_arithmetic3A = arith.constant 3 : i32
            %shift_right_arithmetic3A_259 = vector.broadcast %shift_right_arithmetic3A : i32 to vector<16xi32>
            %shift_right_arithmetic3A_260 = arith.shrsi %sub3A_254, %shift_right_arithmetic3A_259 : vector<16xi32>
            %mul3A_261 = arith.constant 10 : i32
            %mul3A_262 = vector.broadcast %mul3A_261 : i32 to vector<16xi32>
            %mul3A_263 = arith.muli %shift_right_arithmetic3A_260, %mul3A_262 : vector<16xi32>
            %mul3A_264 = arith.constant 2 : i32
            %mul3A_265 = vector.broadcast %mul3A_264 : i32 to vector<16xi32>
            %mul3A_266 = arith.muli %mul3A_265, %sub3A_256 : vector<16xi32>
            %add3A_267 = arith.addi %mul3A_263, %mul3A_266 : vector<16xi32>
            %mul3A_268 = arith.constant 8 : i32
            %mul3A_269 = vector.broadcast %mul3A_268 : i32 to vector<16xi32>
            %mul3A_270 = arith.muli %add3A_267, %mul3A_269 : vector<16xi32>
            %and3A = arith.constant 7 : i32
            %and3A_271 = vector.broadcast %and3A : i32 to vector<16xi32>
            %and3A_272 = arith.andi %sub3A_254, %and3A_271 : vector<16xi32>
            %add3A_273 = arith.addi %mul3A_270, %and3A_272 : vector<16xi32>
            %jit3A_274 = arith.constant 0 : i32
            %broadcast_in_dim3A_275 = vector.broadcast %jit3A_274 : i32 to vector<16xi32>
            %select_n3A_276 = arith.select %lt3A_258, %add3A_273, %broadcast_in_dim3A_275 : vector<16xi1>, vector<16xi32>
            %mul3A_277 = arith.constant 32 : i32
            %mul3A_278 = arith.muli %scan3A_120, %mul3A_277 : i32
            %add3A_279 = arith.addi %mul3A_80, %mul3A_278 : i32
            %shift_right_arithmetic3A_280 = arith.constant 3 : i32
            %shift_right_arithmetic3A_281 = vector.broadcast %shift_right_arithmetic3A_280 : i32 to vector<16xi32>
            %shift_right_arithmetic3A_282 = arith.shrsi %iota3A, %shift_right_arithmetic3A_281 : vector<16xi32>
            %mul3A_283 = arith.constant 16 : i32
            %mul3A_284 = vector.broadcast %mul3A_283 : i32 to vector<16xi32>
            %mul3A_285 = arith.muli %shift_right_arithmetic3A_282, %mul3A_284 : vector<16xi32>
            %add3A_286 = vector.broadcast %add3A_279 : i32 to vector<16xi32>
            %add3A_287 = arith.addi %add3A_286, %mul3A_285 : vector<16xi32>
            %and3A_288 = arith.constant 7 : i32
            %and3A_289 = vector.broadcast %and3A_288 : i32 to vector<16xi32>
            %and3A_290 = arith.andi %iota3A, %and3A_289 : vector<16xi32>
            %add3A_291 = arith.addi %add3A_287, %and3A_290 : vector<16xi32>
            tpu.vector_store_idx %arg10[%add3A_291], %select_n3A_276 : memref<3136xi32, #tpu.memory_space<vmem>>[vector<16xi32>], vector<16xi32>,
            %add3A_292 = arith.constant 8 : i32
            %add3A_293 = vector.broadcast %add3A_292 : i32 to vector<16xi32>
            %add3A_294 = arith.addi %add3A_291, %add3A_293 : vector<16xi32>
            %add3A_295 = arith.constant 8 : i32
            %add3A_296 = vector.broadcast %add3A_295 : i32 to vector<16xi32>
            %add3A_297 = arith.addi %select_n3A_276, %add3A_296 : vector<16xi32>
            %jit3A_298 = arith.constant 0 : i32
            %broadcast_in_dim3A_299 = vector.broadcast %jit3A_298 : i32 to vector<16xi32>
            %select_n3A_300 = arith.select %lt3A_258, %add3A_297, %broadcast_in_dim3A_299 : vector<16xi1>, vector<16xi32>
            tpu.vector_store_idx %arg10[%add3A_294], %select_n3A_300 : memref<3136xi32, #tpu.memory_space<vmem>>[vector<16xi32>], vector<16xi32>,
            %jit3A_301 = arith.constant -1 : i32
            %broadcast_in_dim3A_302 = vector.broadcast %jit3A_301 : i32 to vector<16xi32>
            %select_n3A_303 = arith.select %lt3A_258, %sub3A_254, %broadcast_in_dim3A_302 : vector<16xi1>, vector<16xi32>
            %add3A_304 = arith.constant 10000 : i32
            %add3A_305 = vector.broadcast %add3A_304 : i32 to vector<16xi32>
            %add3A_306 = arith.addi %add3A_305, %add3A_126 : vector<16xi32>
            %jit3A_307 = arith.constant -1 : i32
            %broadcast_in_dim3A_308 = vector.broadcast %jit3A_307 : i32 to vector<16xi32>
            %select_n3A_309 = arith.select %lt3A_258, %add3A_306, %broadcast_in_dim3A_308 : vector<16xi1>, vector<16xi32>
            %mul3A_310 = arith.constant 32 : i32
            %mul3A_311 = arith.muli %scan3A_120, %mul3A_310 : i32
            %add3A_312 = arith.addi %mul3A_80, %mul3A_311 : i32
            %mul3A_313 = arith.constant 2 : i32
            %mul3A_314 = vector.broadcast %mul3A_313 : i32 to vector<16xi32>
            %mul3A_315 = arith.muli %iota3A, %mul3A_314 : vector<16xi32>
            %add3A_316 = vector.broadcast %add3A_312 : i32 to vector<16xi32>
            %add3A_317 = arith.addi %add3A_316, %mul3A_315 : vector<16xi32>
            tpu.vector_store_idx %arg11[%add3A_317], %select_n3A_303 : memref<3136xi32, #tpu.memory_space<vmem>>[vector<16xi32>], vector<16xi32>,
            %add3A_318 = arith.constant 1 : i32
            %add3A_319 = vector.broadcast %add3A_318 : i32 to vector<16xi32>
            %add3A_320 = arith.addi %add3A_317, %add3A_319 : vector<16xi32>
            tpu.vector_store_idx %arg11[%add3A_320], %select_n3A_309 : memref<3136xi32, #tpu.memory_space<vmem>>[vector<16xi32>], vector<16xi32>,
            tpu.vector_store_idx %arg12[%add3A_317], %select_n3A_309 : memref<3136xi32, #tpu.memory_space<vmem>>[vector<16xi32>], vector<16xi32>,
            %add3A_321 = arith.constant 1 : i32
            %add3A_322 = vector.broadcast %add3A_321 : i32 to vector<16xi32>
            %add3A_323 = arith.addi %add3A_317, %add3A_322 : vector<16xi32>
            tpu.vector_store_idx %arg12[%add3A_323], %select_n3A_303 : memref<3136xi32, #tpu.memory_space<vmem>>[vector<16xi32>], vector<16xi32>,
            %scan3A_324 = arith.constant 0 : i32
            scf.yield %scan3A_324 : i32
          }
          %scan3A_89 = arith.constant 3 : i32
          %mul3A_90 = arith.constant 224 : i32
          %mul3A_91 = arith.muli %scan3A_64, %mul3A_90 : i32
          %mul3A_92 = arith.constant 112 : i32
          %mul3A_93 = arith.muli %add3A_68, %mul3A_92 : i32
          %mul3A_94 = arith.constant 2 : i32
          %mul3A_95 = arith.muli %mul3A_94, %mul3A_93 : i32
          %add3A_96 = arith.constant 160000 : i32
          %add3A_97 = arith.addi %add3A_96, %mul3A_95 : i32
          %dma_start3A = arith.constant 0 : i32
          %dma_start3A_98 = tpu.memref_slice %arg11[%mul3A_91] : memref<3136xi32, #tpu.memory_space<vmem>> -> memref<96xi32, #tpu.memory_space<vmem>>
          %dma_start3A_99 = tpu.memref_slice %arg7[%dma_start3A, %add3A_97] : memref<2x260000xi32, #tpu.memory_space<hbm>> -> memref<1x96xi32, #tpu.memory_space<hbm>>
          %dma_start3A_100 = tpu.memref_squeeze %dma_start3A_99 : memref<1x96xi32, #tpu.memory_space<hbm>> -> memref<96xi32, #tpu.memory_space<hbm>>
          %dma_start3A_101 = tpu.memref_slice %arg7[%dma_start3A, %add3A_97] : memref<2x260000xi32, #tpu.memory_space<hbm>> -> memref<1x96xi32, #tpu.memory_space<hbm>>
          %dma_start3A_102 = tpu.memref_squeeze %dma_start3A_101 : memref<1x96xi32, #tpu.memory_space<hbm>> -> memref<96xi32, #tpu.memory_space<hbm>>
          %dma_start3A_103 = tpu.memref_slice %arg11[%mul3A_91] : memref<3136xi32, #tpu.memory_space<vmem>> -> memref<96xi32, #tpu.memory_space<vmem>>
          tpu.enqueue_dma source(%dma_start3A_103 : memref<96xi32, #tpu.memory_space<vmem>>) target(%dma_start3A_102 : memref<96xi32, #tpu.memory_space<hbm>>) target_semaphore(%arg17 : memref<!tpu.dma_semaphore, #tpu.memory_space<semaphore_mem>>)
          %mul3A_104 = arith.constant 2 : i32
          %mul3A_105 = arith.muli %mul3A_104, %mul3A_93 : i32
          %add3A_106 = arith.constant 160000 : i32
          %add3A_107 = arith.addi %add3A_106, %mul3A_105 : i32
          %dma_start3A_108 = arith.constant 1 : i32
          %dma_start3A_109 = tpu.memref_slice %arg12[%mul3A_91] : memref<3136xi32, #tpu.memory_space<vmem>> -> memref<96xi32, #tpu.memory_space<vmem>>
          %dma_start3A_110 = tpu.memref_slice %arg7[%dma_start3A_108, %add3A_107] : memref<2x260000xi32, #tpu.memory_space<hbm>> -> memref<1x96xi32, #tpu.memory_space<hbm>>
          %dma_start3A_111 = tpu.memref_squeeze %dma_start3A_110 : memref<1x96xi32, #tpu.memory_space<hbm>> -> memref<96xi32, #tpu.memory_space<hbm>>
          %dma_start3A_112 = tpu.memref_slice %arg7[%dma_start3A_108, %add3A_107] : memref<2x260000xi32, #tpu.memory_space<hbm>> -> memref<1x96xi32, #tpu.memory_space<hbm>>
          %dma_start3A_113 = tpu.memref_squeeze %dma_start3A_112 : memref<1x96xi32, #tpu.memory_space<hbm>> -> memref<96xi32, #tpu.memory_space<hbm>>
          %dma_start3A_114 = tpu.memref_slice %arg12[%mul3A_91] : memref<3136xi32, #tpu.memory_space<vmem>> -> memref<96xi32, #tpu.memory_space<vmem>>
          tpu.enqueue_dma source(%dma_start3A_114 : memref<96xi32, #tpu.memory_space<vmem>>) target(%dma_start3A_113 : memref<96xi32, #tpu.memory_space<hbm>>) target_semaphore(%arg17 : memref<!tpu.dma_semaphore, #tpu.memory_space<semaphore_mem>>)
          %sub3A = arith.subi %scan3A_32, %mul3A_93 : i32
          %jit3A = arith.constant 0 : i32
          %jit3A_115 = arith.constant 48 : i32
          %max3A = arith.maxsi %jit3A, %sub3A : i32
          %min3A = arith.minsi %jit3A_115, %max3A : i32
          %gt3A = arith.constant 0 : i32
          %gt3A_116 = arith.cmpi sgt, %min3A, %gt3A : i32
          %convert_element_type3A_117 = arith.extui %gt3A_116 : i1 to i32
          %cond3A_118 = arith.constant 0 : i32
          %cond3A_119 = arith.cmpi ne, %convert_element_type3A_117, %cond3A_118 : i32
          scf.if %cond3A_119 {
            %dma_start3A_120 = arith.constant 0 : i32
            %dma_start3A_121 = arith.constant 0 : i32
            %dma_start3A_122 = tpu.memref_slice %arg15[%dma_start3A_120, %dma_start3A_121] : memref<224x128xf32, #tpu.memory_space<vmem>> -> memref<48x128xf32, #tpu.memory_space<vmem>>
            %dma_start3A_123 = tpu.memref_slice %arg10[%mul3A_91] : memref<3136xi32, #tpu.memory_space<vmem>> -> memref<48xi32, #tpu.memory_space<vmem>>
            %dma_start3A_124 = arith.constant 0 : i32
            %dma_start3A_125 = arith.constant 0 : i32
            %dma_start3A_126 = tpu.memref_slice %arg5[%dma_start3A_124, %dma_start3A_125] : memref<100000x128xf32, #tpu.memory_space<hbm>> -> memref<100000x128xf32, #tpu.memory_space<hbm>>
            tpu.enqueue_indirect_dma source(%dma_start3A_126 : memref<100000x128xf32, #tpu.memory_space<hbm>>) target(%dma_start3A_122 : memref<48x128xf32, #tpu.memory_space<vmem>>) offsets(%dma_start3A_123 : memref<48xi32, #tpu.memory_space<vmem>>) semaphore(%arg16 : memref<!tpu.dma_semaphore, #tpu.memory_space<semaphore_mem>>)
            %add3A_127 = arith.constant 48 : i32
            %add3A_128 = arith.addi %mul3A_91, %add3A_127 : i32
            %dma_start3A_129 = arith.constant 48 : i32
            %dma_start3A_130 = arith.constant 0 : i32
            %dma_start3A_131 = tpu.memref_slice %arg15[%dma_start3A_129, %dma_start3A_130] : memref<224x128xf32, #tpu.memory_space<vmem>> -> memref<48x128xf32, #tpu.memory_space<vmem>>
            %dma_start3A_132 = tpu.memref_slice %arg10[%add3A_128] : memref<3136xi32, #tpu.memory_space<vmem>> -> memref<48xi32, #tpu.memory_space<vmem>>
            %dma_start3A_133 = arith.constant 0 : i32
            %dma_start3A_134 = arith.constant 0 : i32
            %dma_start3A_135 = tpu.memref_slice %arg5[%dma_start3A_133, %dma_start3A_134] : memref<100000x128xf32, #tpu.memory_space<hbm>> -> memref<100000x128xf32, #tpu.memory_space<hbm>>
            tpu.enqueue_indirect_dma source(%dma_start3A_135 : memref<100000x128xf32, #tpu.memory_space<hbm>>) target(%dma_start3A_131 : memref<48x128xf32, #tpu.memory_space<vmem>>) offsets(%dma_start3A_132 : memref<48xi32, #tpu.memory_space<vmem>>) semaphore(%arg16 : memref<!tpu.dma_semaphore, #tpu.memory_space<semaphore_mem>>)
            %dma_wait3A = arith.constant 0 : i32
            %dma_wait3A_136 = arith.constant 0 : i32
            %dma_wait3A_137 = tpu.memref_slice %arg15[%dma_wait3A, %dma_wait3A_136] : memref<224x128xf32, #tpu.memory_space<vmem>> -> memref<48x128xf32, #tpu.memory_space<vmem>>
            %dma_wait3A_138 = tpu.memref_slice %arg10[%mul3A_91] : memref<3136xi32, #tpu.memory_space<vmem>> -> memref<48xi32, #tpu.memory_space<vmem>>
            %dma_wait3A_139 = arith.constant 0 : i32
            %dma_wait3A_140 = arith.constant 0 : i32
            %dma_wait3A_141 = tpu.memref_slice %arg5[%dma_wait3A_139, %dma_wait3A_140] : memref<100000x128xf32, #tpu.memory_space<hbm>> -> memref<100000x128xf32, #tpu.memory_space<hbm>>
            tpu.wait_indirect_dma semaphore(%arg16 : memref<!tpu.dma_semaphore, #tpu.memory_space<semaphore_mem>>) src(%dma_wait3A_141 : memref<100000x128xf32, #tpu.memory_space<hbm>>) dst(%dma_wait3A_137 : memref<48x128xf32, #tpu.memory_space<vmem>>)
            %dma_wait3A_142 = arith.constant 48 : i32
            %dma_wait3A_143 = arith.constant 0 : i32
            %dma_wait3A_144 = tpu.memref_slice %arg15[%dma_wait3A_142, %dma_wait3A_143] : memref<224x128xf32, #tpu.memory_space<vmem>> -> memref<48x128xf32, #tpu.memory_space<vmem>>
            %dma_wait3A_145 = tpu.memref_slice %arg10[%add3A_128] : memref<3136xi32, #tpu.memory_space<vmem>> -> memref<48xi32, #tpu.memory_space<vmem>>
            %dma_wait3A_146 = arith.constant 0 : i32
            %dma_wait3A_147 = arith.constant 0 : i32
            %dma_wait3A_148 = tpu.memref_slice %arg5[%dma_wait3A_146, %dma_wait3A_147] : memref<100000x128xf32, #tpu.memory_space<hbm>> -> memref<100000x128xf32, #tpu.memory_space<hbm>>
            tpu.wait_indirect_dma semaphore(%arg16 : memref<!tpu.dma_semaphore, #tpu.memory_space<semaphore_mem>>) src(%dma_wait3A_148 : memref<100000x128xf32, #tpu.memory_space<hbm>>) dst(%dma_wait3A_144 : memref<48x128xf32, #tpu.memory_space<vmem>>)
            %lt3A_149 = arith.constant 48 : i32
            %lt3A_150 = arith.cmpi slt, %min3A, %lt3A_149 : i32
            %convert_element_type3A_151 = arith.extui %lt3A_150 : i1 to i32
            %cond3A_152 = arith.constant 0 : i32
            %cond3A_153 = arith.cmpi ne, %convert_element_type3A_151, %cond3A_152 : i32
            scf.if %cond3A_153 {
              %scan3A_158 = arith.constant 0 : i32
              %scan3A_159 = arith.constant 0 : i32
              %scan3A_160 = arith.constant 96 : i32
              %scan3A_161 = arith.addi %scan3A_159, %scan3A_160 : i32
              %scan3A_162 = arith.constant 1 : i32
              %scan3A_163 = scf.for %scan3A_165 = %scan3A_159 to %scan3A_161 step %scan3A_162 iter_args(%scan3A_166 = %scan3A_158) -> (i32)  : i32 {
                %shift_right_arithmetic3A = arith.constant 4 : i32
                %shift_right_arithmetic3A_167 = arith.shrsi %scan3A_165, %shift_right_arithmetic3A : i32
                %mul3A_168 = arith.constant 8 : i32
                %mul3A_169 = arith.muli %shift_right_arithmetic3A_167, %mul3A_168 : i32
                %add3A_170 = arith.addi %mul3A_93, %mul3A_169 : i32
                %and3A = arith.constant 7 : i32
                %and3A_171 = arith.andi %scan3A_165, %and3A : i32
                %add3A_172 = arith.addi %add3A_170, %and3A_171 : i32
                %ge3A = arith.cmpi sge, %add3A_172, %scan3A_32 : i32
                %convert_element_type3A_173 = arith.extui %ge3A : i1 to i32
                %cond3A_174 = arith.constant 0 : i32
                %cond3A_175 = arith.cmpi ne, %convert_element_type3A_173, %cond3A_174 : i32
                scf.if %cond3A_175 {
                  %swap3A = arith.constant 0 : i32
                  %swap3A_177 = tpu.memref_slice %arg15[%scan3A_165, %swap3A] : memref<224x128xf32, #tpu.memory_space<vmem>> -> memref<1x128xf32, #tpu.memory_space<vmem>>
                  %swap3A_178 = tpu.memref_squeeze %swap3A_177 : memref<1x128xf32, #tpu.memory_space<vmem>> -> memref<128xf32, #tpu.memory_space<vmem>>
                  %swap3A_179 = arith.constant 0 : index
                  %swap3A_180 = tpu.vector_load %swap3A_178[%swap3A_179] {strides = array<i32>} : memref<128xf32, #tpu.memory_space<vmem>>, vector<16xf32>,
                  tpu.vector_store %swap3A_178[%swap3A_179], %broadcast_in_dim3A_1 {strides = array<i32>} : memref<128xf32, #tpu.memory_space<vmem>>, vector<16xf32>,
                  %swap3A_181 = arith.constant 0 : i32
                  %swap3A_182 = tpu.memref_slice %arg15[%scan3A_165, %swap3A_181] : memref<224x128xf32, #tpu.memory_space<vmem>> -> memref<1x128xf32, #tpu.memory_space<vmem>>
                  %swap3A_183 = tpu.memref_squeeze %swap3A_182 : memref<1x128xf32, #tpu.memory_space<vmem>> -> memref<128xf32, #tpu.memory_space<vmem>>
                  %swap3A_184 = arith.constant 16 : index
                  %swap3A_185 = tpu.vector_load %swap3A_183[%swap3A_184] {strides = array<i32>} : memref<128xf32, #tpu.memory_space<vmem>>, vector<16xf32>,
                  tpu.vector_store %swap3A_183[%swap3A_184], %broadcast_in_dim3A_1 {strides = array<i32>} : memref<128xf32, #tpu.memory_space<vmem>>, vector<16xf32>,
                  %swap3A_186 = arith.constant 0 : i32
                  %swap3A_187 = tpu.memref_slice %arg15[%scan3A_165, %swap3A_186] : memref<224x128xf32, #tpu.memory_space<vmem>> -> memref<1x128xf32, #tpu.memory_space<vmem>>
                  %swap3A_188 = tpu.memref_squeeze %swap3A_187 : memref<1x128xf32, #tpu.memory_space<vmem>> -> memref<128xf32, #tpu.memory_space<vmem>>
                  %swap3A_189 = arith.constant 32 : index
                  %swap3A_190 = tpu.vector_load %swap3A_188[%swap3A_189] {strides = array<i32>} : memref<128xf32, #tpu.memory_space<vmem>>, vector<16xf32>,
                  tpu.vector_store %swap3A_188[%swap3A_189], %broadcast_in_dim3A_1 {strides = array<i32>} : memref<128xf32, #tpu.memory_space<vmem>>, vector<16xf32>,
                  %swap3A_191 = arith.constant 0 : i32
                  %swap3A_192 = tpu.memref_slice %arg15[%scan3A_165, %swap3A_191] : memref<224x128xf32, #tpu.memory_space<vmem>> -> memref<1x128xf32, #tpu.memory_space<vmem>>
                  %swap3A_193 = tpu.memref_squeeze %swap3A_192 : memref<1x128xf32, #tpu.memory_space<vmem>> -> memref<128xf32, #tpu.memory_space<vmem>>
                  %swap3A_194 = arith.constant 48 : index
                  %swap3A_195 = tpu.vector_load %swap3A_193[%swap3A_194] {strides = array<i32>} : memref<128xf32, #tpu.memory_space<vmem>>, vector<16xf32>,
                  tpu.vector_store %swap3A_193[%swap3A_194], %broadcast_in_dim3A_1 {strides = array<i32>} : memref<128xf32, #tpu.memory_space<vmem>>, vector<16xf32>,
                  %swap3A_196 = arith.constant 0 : i32
                  %swap3A_197 = tpu.memref_slice %arg15[%scan3A_165, %swap3A_196] : memref<224x128xf32, #tpu.memory_space<vmem>> -> memref<1x128xf32, #tpu.memory_space<vmem>>
                  %swap3A_198 = tpu.memref_squeeze %swap3A_197 : memref<1x128xf32, #tpu.memory_space<vmem>> -> memref<128xf32, #tpu.memory_space<vmem>>
                  %swap3A_199 = arith.constant 64 : index
                  %swap3A_200 = tpu.vector_load %swap3A_198[%swap3A_199] {strides = array<i32>} : memref<128xf32, #tpu.memory_space<vmem>>, vector<16xf32>,
                  tpu.vector_store %swap3A_198[%swap3A_199], %broadcast_in_dim3A_1 {strides = array<i32>} : memref<128xf32, #tpu.memory_space<vmem>>, vector<16xf32>,
                  %swap3A_201 = arith.constant 0 : i32
                  %swap3A_202 = tpu.memref_slice %arg15[%scan3A_165, %swap3A_201] : memref<224x128xf32, #tpu.memory_space<vmem>> -> memref<1x128xf32, #tpu.memory_space<vmem>>
                  %swap3A_203 = tpu.memref_squeeze %swap3A_202 : memref<1x128xf32, #tpu.memory_space<vmem>> -> memref<128xf32, #tpu.memory_space<vmem>>
                  %swap3A_204 = arith.constant 80 : index
                  %swap3A_205 = tpu.vector_load %swap3A_203[%swap3A_204] {strides = array<i32>} : memref<128xf32, #tpu.memory_space<vmem>>, vector<16xf32>,
                  tpu.vector_store %swap3A_203[%swap3A_204], %broadcast_in_dim3A_1 {strides = array<i32>} : memref<128xf32, #tpu.memory_space<vmem>>, vector<16xf32>,
                  %swap3A_206 = arith.constant 0 : i32
                  %swap3A_207 = tpu.memref_slice %arg15[%scan3A_165, %swap3A_206] : memref<224x128xf32, #tpu.memory_space<vmem>> -> memref<1x128xf32, #tpu.memory_space<vmem>>
                  %swap3A_208 = tpu.memref_squeeze %swap3A_207 : memref<1x128xf32, #tpu.memory_space<vmem>> -> memref<128xf32, #tpu.memory_space<vmem>>
                  %swap3A_209 = arith.constant 96 : index
                  %swap3A_210 = tpu.vector_load %swap3A_208[%swap3A_209] {strides = array<i32>} : memref<128xf32, #tpu.memory_space<vmem>>, vector<16xf32>,
                  tpu.vector_store %swap3A_208[%swap3A_209], %broadcast_in_dim3A_1 {strides = array<i32>} : memref<128xf32, #tpu.memory_space<vmem>>, vector<16xf32>,
                  %swap3A_211 = arith.constant 0 : i32
                  %swap3A_212 = tpu.memref_slice %arg15[%scan3A_165, %swap3A_211] : memref<224x128xf32, #tpu.memory_space<vmem>> -> memref<1x128xf32, #tpu.memory_space<vmem>>
                  %swap3A_213 = tpu.memref_squeeze %swap3A_212 : memref<1x128xf32, #tpu.memory_space<vmem>> -> memref<128xf32, #tpu.memory_space<vmem>>
                  %swap3A_214 = arith.constant 112 : index
                  %swap3A_215 = tpu.vector_load %swap3A_213[%swap3A_214] {strides = array<i32>} : memref<128xf32, #tpu.memory_space<vmem>>, vector<16xf32>,
                  tpu.vector_store %swap3A_213[%swap3A_214], %broadcast_in_dim3A_1 {strides = array<i32>} : memref<128xf32, #tpu.memory_space<vmem>>, vector<16xf32>,
                } else {
                }
                %scan3A_176 = arith.constant 0 : i32
                scf.yield %scan3A_176 : i32
              }
              %scan3A_164 = arith.constant 96 : i32
            } else {
            }
            %mul3A_154 = arith.constant 2 : i32
            %mul3A_155 = arith.muli %mul3A_154, %mul3A_93 : i32
            %add3A_156 = arith.constant 20000 : i32
            %add3A_157 = arith.addi %add3A_156, %mul3A_155 : i32
            "tpu.region"() ({
              %run_scoped3A_158 = tpu.sem_alloc : memref<!tpu.dma_semaphore, #tpu.memory_space<semaphore_mem>>
              %dma_start3A_159 = arith.constant 0 : i32
              %dma_start3A_160 = arith.constant 0 : i32
              %dma_start3A_161 = tpu.memref_slice %arg15[%dma_start3A_159, %dma_start3A_160] : memref<224x128xf32, #tpu.memory_space<vmem>> -> memref<96x128xf32, #tpu.memory_space<vmem>>
              %dma_start3A_162 = arith.constant 0 : i32
              %dma_start3A_163 = tpu.memref_slice %arg6[%add3A_157, %dma_start3A_162] : memref<120000x128xf32, #tpu.memory_space<hbm>> -> memref<96x128xf32, #tpu.memory_space<hbm>>
              %dma_start3A_164 = arith.constant 0 : i32
              %dma_start3A_165 = tpu.memref_slice %arg6[%add3A_157, %dma_start3A_164] : memref<120000x128xf32, #tpu.memory_space<hbm>> -> memref<96x128xf32, #tpu.memory_space<hbm>>
              %dma_start3A_166 = arith.constant 0 : i32
              %dma_start3A_167 = arith.constant 0 : i32
              %dma_start3A_168 = tpu.memref_slice %arg15[%dma_start3A_166, %dma_start3A_167] : memref<224x128xf32, #tpu.memory_space<vmem>> -> memref<96x128xf32, #tpu.memory_space<vmem>>
              tpu.enqueue_dma source(%dma_start3A_168 : memref<96x128xf32, #tpu.memory_space<vmem>>) target(%dma_start3A_165 : memref<96x128xf32, #tpu.memory_space<hbm>>) target_semaphore(%run_scoped3A_158 : memref<!tpu.dma_semaphore, #tpu.memory_space<semaphore_mem>>)
              %dma_wait3A_169 = arith.constant 0 : i32
              %dma_wait3A_170 = arith.constant 0 : i32
              %dma_wait3A_171 = tpu.memref_slice %arg15[%dma_wait3A_169, %dma_wait3A_170] : memref<224x128xf32, #tpu.memory_space<vmem>> -> memref<96x128xf32, #tpu.memory_space<vmem>>
              %dma_wait3A_172 = arith.constant 0 : i32
              %dma_wait3A_173 = tpu.memref_slice %arg6[%add3A_157, %dma_wait3A_172] : memref<120000x128xf32, #tpu.memory_space<hbm>> -> memref<96x128xf32, #tpu.memory_space<hbm>>
              %dma_wait3A_174 = arith.constant 0 : i32
              %dma_wait3A_175 = tpu.memref_slice %arg6[%add3A_157, %dma_wait3A_174] : memref<120000x128xf32, #tpu.memory_space<hbm>> -> memref<96x128xf32, #tpu.memory_space<hbm>>
              %dma_wait3A_176 = arith.constant 0 : i32
              %dma_wait3A_177 = arith.constant 0 : i32
              %dma_wait3A_178 = tpu.memref_slice %arg15[%dma_wait3A_176, %dma_wait3A_177] : memref<224x128xf32, #tpu.memory_space<vmem>> -> memref<96x128xf32, #tpu.memory_space<vmem>>
              tpu.wait_dma2 semaphore(%run_scoped3A_158 : memref<!tpu.dma_semaphore, #tpu.memory_space<semaphore_mem>>) src(%dma_wait3A_178 : memref<96x128xf32, #tpu.memory_space<vmem>>) dst(%dma_wait3A_175 : memref<96x128xf32, #tpu.memory_space<hbm>>)
              tpu.yield
            }) : () -> ()
          } else {
            %mul3A_120 = arith.constant 2 : i32
            %mul3A_121 = arith.muli %mul3A_120, %mul3A_93 : i32
            %add3A_122 = arith.constant 20000 : i32
            %add3A_123 = arith.addi %add3A_122, %mul3A_121 : i32
            %dma_start3A_124 = arith.constant 0 : i32
            %dma_start3A_125 = arith.constant 0 : i32
            %dma_start3A_126 = tpu.memref_slice %arg14[%dma_start3A_124, %dma_start3A_125] : memref<224x128xf32, #tpu.memory_space<vmem>> -> memref<96x128xf32, #tpu.memory_space<vmem>>
            %dma_start3A_127 = arith.constant 0 : i32
            %dma_start3A_128 = tpu.memref_slice %arg6[%add3A_123, %dma_start3A_127] : memref<120000x128xf32, #tpu.memory_space<hbm>> -> memref<96x128xf32, #tpu.memory_space<hbm>>
            %dma_start3A_129 = arith.constant 0 : i32
            %dma_start3A_130 = tpu.memref_slice %arg6[%add3A_123, %dma_start3A_129] : memref<120000x128xf32, #tpu.memory_space<hbm>> -> memref<96x128xf32, #tpu.memory_space<hbm>>
            %dma_start3A_131 = arith.constant 0 : i32
            %dma_start3A_132 = arith.constant 0 : i32
            %dma_start3A_133 = tpu.memref_slice %arg14[%dma_start3A_131, %dma_start3A_132] : memref<224x128xf32, #tpu.memory_space<vmem>> -> memref<96x128xf32, #tpu.memory_space<vmem>>
            tpu.enqueue_dma source(%dma_start3A_133 : memref<96x128xf32, #tpu.memory_space<vmem>>) target(%dma_start3A_130 : memref<96x128xf32, #tpu.memory_space<hbm>>) target_semaphore(%arg17 : memref<!tpu.dma_semaphore, #tpu.memory_space<semaphore_mem>>)
          }
        } else {
        }
      }
      %scan3A_73 = arith.constant 0 : i32
      scf.yield %scan3A_73 : i32
    }
    %scan3A_56 = arith.constant 14 : i32
    "tpu.trace_stop"() : () -> ()
    "tpu.trace_start"() <{level = 10 : i32, message = "ph_drain"}> : () -> ()
    %scan3A_57 = arith.constant 0 : i32
    %scan3A_58 = arith.constant 0 : i32
    %scan3A_59 = arith.constant 14 : i32
    %scan3A_60 = arith.addi %scan3A_58, %scan3A_59 : i32
    %scan3A_61 = arith.constant 1 : i32
    %scan3A_62 = scf.for %scan3A_64 = %scan3A_58 to %scan3A_60 step %scan3A_61 iter_args(%scan3A_65 = %scan3A_57) -> (i32)  : i32 {
      %mul3A_66 = arith.constant 32 : i32
      %mul3A_67 = arith.muli %mul3A_66, %scan3A_64 : i32
      %add3A_68 = arith.addi %add3A, %mul3A_67 : i32
      %lt3A = arith.constant 446 : i32
      %lt3A_69 = arith.cmpi slt, %add3A_68, %lt3A : i32
      %convert_element_type3A_70 = arith.extui %lt3A_69 : i1 to i32
      %cond3A_71 = arith.constant 0 : i32
      %cond3A_72 = arith.cmpi ne, %convert_element_type3A_70, %cond3A_71 : i32
      scf.if %cond3A_72 {
        %mul3A_74 = arith.constant 224 : i32
        %mul3A_75 = arith.muli %scan3A_64, %mul3A_74 : i32
        %mul3A_76 = arith.constant 112 : i32
        %mul3A_77 = arith.muli %add3A_68, %mul3A_76 : i32
        %mul3A_78 = arith.constant 2 : i32
        %mul3A_79 = arith.muli %mul3A_78, %mul3A_77 : i32
        %add3A_80 = arith.constant 160000 : i32
        %add3A_81 = arith.addi %add3A_80, %mul3A_79 : i32
        %dma_wait3A = arith.constant 0 : i32
        %dma_wait3A_82 = tpu.memref_slice %arg11[%mul3A_75] : memref<3136xi32, #tpu.memory_space<vmem>> -> memref<224xi32, #tpu.memory_space<vmem>>
        %dma_wait3A_83 = tpu.memref_slice %arg7[%dma_wait3A, %add3A_81] : memref<2x260000xi32, #tpu.memory_space<hbm>> -> memref<1x224xi32, #tpu.memory_space<hbm>>
        %dma_wait3A_84 = tpu.memref_squeeze %dma_wait3A_83 : memref<1x224xi32, #tpu.memory_space<hbm>> -> memref<224xi32, #tpu.memory_space<hbm>>
        %dma_wait3A_85 = tpu.memref_slice %arg7[%dma_wait3A, %add3A_81] : memref<2x260000xi32, #tpu.memory_space<hbm>> -> memref<1x224xi32, #tpu.memory_space<hbm>>
        %dma_wait3A_86 = tpu.memref_squeeze %dma_wait3A_85 : memref<1x224xi32, #tpu.memory_space<hbm>> -> memref<224xi32, #tpu.memory_space<hbm>>
        %dma_wait3A_87 = tpu.memref_slice %arg11[%mul3A_75] : memref<3136xi32, #tpu.memory_space<vmem>> -> memref<224xi32, #tpu.memory_space<vmem>>
        tpu.wait_dma2 semaphore(%arg17 : memref<!tpu.dma_semaphore, #tpu.memory_space<semaphore_mem>>) src(%dma_wait3A_87 : memref<224xi32, #tpu.memory_space<vmem>>) dst(%dma_wait3A_86 : memref<224xi32, #tpu.memory_space<hbm>>)
        %mul3A_88 = arith.constant 2 : i32
        %mul3A_89 = arith.muli %mul3A_88, %mul3A_77 : i32
        %add3A_90 = arith.constant 160000 : i32
        %add3A_91 = arith.addi %add3A_90, %mul3A_89 : i32
        %dma_wait3A_92 = arith.constant 1 : i32
        %dma_wait3A_93 = tpu.memref_slice %arg12[%mul3A_75] : memref<3136xi32, #tpu.memory_space<vmem>> -> memref<224xi32, #tpu.memory_space<vmem>>
        %dma_wait3A_94 = tpu.memref_slice %arg7[%dma_wait3A_92, %add3A_91] : memref<2x260000xi32, #tpu.memory_space<hbm>> -> memref<1x224xi32, #tpu.memory_space<hbm>>
        %dma_wait3A_95 = tpu.memref_squeeze %dma_wait3A_94 : memref<1x224xi32, #tpu.memory_space<hbm>> -> memref<224xi32, #tpu.memory_space<hbm>>
        %dma_wait3A_96 = tpu.memref_slice %arg7[%dma_wait3A_92, %add3A_91] : memref<2x260000xi32, #tpu.memory_space<hbm>> -> memref<1x224xi32, #tpu.memory_space<hbm>>
        %dma_wait3A_97 = tpu.memref_squeeze %dma_wait3A_96 : memref<1x224xi32, #tpu.memory_space<hbm>> -> memref<224xi32, #tpu.memory_space<hbm>>
        %dma_wait3A_98 = tpu.memref_slice %arg12[%mul3A_75] : memref<3136xi32, #tpu.memory_space<vmem>> -> memref<224xi32, #tpu.memory_space<vmem>>
        tpu.wait_dma2 semaphore(%arg17 : memref<!tpu.dma_semaphore, #tpu.memory_space<semaphore_mem>>) src(%dma_wait3A_98 : memref<224xi32, #tpu.memory_space<vmem>>) dst(%dma_wait3A_97 : memref<224xi32, #tpu.memory_space<hbm>>)
        %sub3A = arith.subi %scan3A_32, %mul3A_77 : i32
        %jit3A = arith.constant 0 : i32
        %jit3A_99 = arith.constant 112 : i32
        %max3A = arith.maxsi %jit3A, %sub3A : i32
        %min3A = arith.minsi %jit3A_99, %max3A : i32
        %eq3A_100 = arith.constant 0 : i32
        %eq3A_101 = arith.cmpi eq, %min3A, %eq3A_100 : i32
        %convert_element_type3A_102 = arith.extui %eq3A_101 : i1 to i32
        %cond3A_103 = arith.constant 0 : i32
        %cond3A_104 = arith.cmpi ne, %convert_element_type3A_102, %cond3A_103 : i32
        scf.if %cond3A_104 {
          %mul3A_105 = arith.constant 2 : i32
          %mul3A_106 = arith.muli %mul3A_105, %mul3A_77 : i32
          %add3A_107 = arith.constant 20000 : i32
          %add3A_108 = arith.addi %add3A_107, %mul3A_106 : i32
          %dma_wait3A_109 = arith.constant 0 : i32
          %dma_wait3A_110 = arith.constant 0 : i32
          %dma_wait3A_111 = tpu.memref_slice %arg14[%dma_wait3A_109, %dma_wait3A_110] : memref<224x128xf32, #tpu.memory_space<vmem>> -> memref<224x128xf32, #tpu.memory_space<vmem>>
          %dma_wait3A_112 = arith.constant 0 : i32
          %dma_wait3A_113 = tpu.memref_slice %arg6[%add3A_108, %dma_wait3A_112] : memref<120000x128xf32, #tpu.memory_space<hbm>> -> memref<224x128xf32, #tpu.memory_space<hbm>>
          %dma_wait3A_114 = arith.constant 0 : i32
          %dma_wait3A_115 = tpu.memref_slice %arg6[%add3A_108, %dma_wait3A_114] : memref<120000x128xf32, #tpu.memory_space<hbm>> -> memref<224x128xf32, #tpu.memory_space<hbm>>
          %dma_wait3A_116 = arith.constant 0 : i32
          %dma_wait3A_117 = arith.constant 0 : i32
          %dma_wait3A_118 = tpu.memref_slice %arg14[%dma_wait3A_116, %dma_wait3A_117] : memref<224x128xf32, #tpu.memory_space<vmem>> -> memref<224x128xf32, #tpu.memory_space<vmem>>
          tpu.wait_dma2 semaphore(%arg17 : memref<!tpu.dma_semaphore, #tpu.memory_space<semaphore_mem>>) src(%dma_wait3A_118 : memref<224x128xf32, #tpu.memory_space<vmem>>) dst(%dma_wait3A_115 : memref<224x128xf32, #tpu.memory_space<hbm>>)
        } else {
        }
      } else {
        %eq3A_74 = arith.constant 446 : i32
        %eq3A_75 = arith.cmpi eq, %add3A_68, %eq3A_74 : i32
        %convert_element_type3A_76 = arith.extui %eq3A_75 : i1 to i32
        %cond3A_77 = arith.constant 0 : i32
        %cond3A_78 = arith.cmpi ne, %convert_element_type3A_76, %cond3A_77 : i32
        scf.if %cond3A_78 {
          %mul3A_79 = arith.constant 224 : i32
          %mul3A_80 = arith.muli %scan3A_64, %mul3A_79 : i32
          %mul3A_81 = arith.constant 112 : i32
          %mul3A_82 = arith.muli %add3A_68, %mul3A_81 : i32
          %mul3A_83 = arith.constant 2 : i32
          %mul3A_84 = arith.muli %mul3A_83, %mul3A_82 : i32
          %add3A_85 = arith.constant 160000 : i32
          %add3A_86 = arith.addi %add3A_85, %mul3A_84 : i32
          %dma_wait3A = arith.constant 0 : i32
          %dma_wait3A_87 = tpu.memref_slice %arg11[%mul3A_80] : memref<3136xi32, #tpu.memory_space<vmem>> -> memref<96xi32, #tpu.memory_space<vmem>>
          %dma_wait3A_88 = tpu.memref_slice %arg7[%dma_wait3A, %add3A_86] : memref<2x260000xi32, #tpu.memory_space<hbm>> -> memref<1x96xi32, #tpu.memory_space<hbm>>
          %dma_wait3A_89 = tpu.memref_squeeze %dma_wait3A_88 : memref<1x96xi32, #tpu.memory_space<hbm>> -> memref<96xi32, #tpu.memory_space<hbm>>
          %dma_wait3A_90 = tpu.memref_slice %arg7[%dma_wait3A, %add3A_86] : memref<2x260000xi32, #tpu.memory_space<hbm>> -> memref<1x96xi32, #tpu.memory_space<hbm>>
          %dma_wait3A_91 = tpu.memref_squeeze %dma_wait3A_90 : memref<1x96xi32, #tpu.memory_space<hbm>> -> memref<96xi32, #tpu.memory_space<hbm>>
          %dma_wait3A_92 = tpu.memref_slice %arg11[%mul3A_80] : memref<3136xi32, #tpu.memory_space<vmem>> -> memref<96xi32, #tpu.memory_space<vmem>>
          tpu.wait_dma2 semaphore(%arg17 : memref<!tpu.dma_semaphore, #tpu.memory_space<semaphore_mem>>) src(%dma_wait3A_92 : memref<96xi32, #tpu.memory_space<vmem>>) dst(%dma_wait3A_91 : memref<96xi32, #tpu.memory_space<hbm>>)
          %mul3A_93 = arith.constant 2 : i32
          %mul3A_94 = arith.muli %mul3A_93, %mul3A_82 : i32
          %add3A_95 = arith.constant 160000 : i32
          %add3A_96 = arith.addi %add3A_95, %mul3A_94 : i32
          %dma_wait3A_97 = arith.constant 1 : i32
          %dma_wait3A_98 = tpu.memref_slice %arg12[%mul3A_80] : memref<3136xi32, #tpu.memory_space<vmem>> -> memref<96xi32, #tpu.memory_space<vmem>>
          %dma_wait3A_99 = tpu.memref_slice %arg7[%dma_wait3A_97, %add3A_96] : memref<2x260000xi32, #tpu.memory_space<hbm>> -> memref<1x96xi32, #tpu.memory_space<hbm>>
          %dma_wait3A_100 = tpu.memref_squeeze %dma_wait3A_99 : memref<1x96xi32, #tpu.memory_space<hbm>> -> memref<96xi32, #tpu.memory_space<hbm>>
          %dma_wait3A_101 = tpu.memref_slice %arg7[%dma_wait3A_97, %add3A_96] : memref<2x260000xi32, #tpu.memory_space<hbm>> -> memref<1x96xi32, #tpu.memory_space<hbm>>
          %dma_wait3A_102 = tpu.memref_squeeze %dma_wait3A_101 : memref<1x96xi32, #tpu.memory_space<hbm>> -> memref<96xi32, #tpu.memory_space<hbm>>
          %dma_wait3A_103 = tpu.memref_slice %arg12[%mul3A_80] : memref<3136xi32, #tpu.memory_space<vmem>> -> memref<96xi32, #tpu.memory_space<vmem>>
          tpu.wait_dma2 semaphore(%arg17 : memref<!tpu.dma_semaphore, #tpu.memory_space<semaphore_mem>>) src(%dma_wait3A_103 : memref<96xi32, #tpu.memory_space<vmem>>) dst(%dma_wait3A_102 : memref<96xi32, #tpu.memory_space<hbm>>)
          %sub3A = arith.subi %scan3A_32, %mul3A_82 : i32
          %jit3A = arith.constant 0 : i32
          %jit3A_104 = arith.constant 48 : i32
          %max3A = arith.maxsi %jit3A, %sub3A : i32
          %min3A = arith.minsi %jit3A_104, %max3A : i32
          %eq3A_105 = arith.constant 0 : i32
          %eq3A_106 = arith.cmpi eq, %min3A, %eq3A_105 : i32
          %convert_element_type3A_107 = arith.extui %eq3A_106 : i1 to i32
          %cond3A_108 = arith.constant 0 : i32
          %cond3A_109 = arith.cmpi ne, %convert_element_type3A_107, %cond3A_108 : i32
          scf.if %cond3A_109 {
            %mul3A_110 = arith.constant 2 : i32
            %mul3A_111 = arith.muli %mul3A_110, %mul3A_82 : i32
            %add3A_112 = arith.constant 20000 : i32
            %add3A_113 = arith.addi %add3A_112, %mul3A_111 : i32
            %dma_wait3A_114 = arith.constant 0 : i32
            %dma_wait3A_115 = arith.constant 0 : i32
            %dma_wait3A_116 = tpu.memref_slice %arg14[%dma_wait3A_114, %dma_wait3A_115] : memref<224x128xf32, #tpu.memory_space<vmem>> -> memref<96x128xf32, #tpu.memory_space<vmem>>
            %dma_wait3A_117 = arith.constant 0 : i32
            %dma_wait3A_118 = tpu.memref_slice %arg6[%add3A_113, %dma_wait3A_117] : memref<120000x128xf32, #tpu.memory_space<hbm>> -> memref<96x128xf32, #tpu.memory_space<hbm>>
            %dma_wait3A_119 = arith.constant 0 : i32
            %dma_wait3A_120 = tpu.memref_slice %arg6[%add3A_113, %dma_wait3A_119] : memref<120000x128xf32, #tpu.memory_space<hbm>> -> memref<96x128xf32, #tpu.memory_space<hbm>>
            %dma_wait3A_121 = arith.constant 0 : i32
            %dma_wait3A_122 = arith.constant 0 : i32
            %dma_wait3A_123 = tpu.memref_slice %arg14[%dma_wait3A_121, %dma_wait3A_122] : memref<224x128xf32, #tpu.memory_space<vmem>> -> memref<96x128xf32, #tpu.memory_space<vmem>>
            tpu.wait_dma2 semaphore(%arg17 : memref<!tpu.dma_semaphore, #tpu.memory_space<semaphore_mem>>) src(%dma_wait3A_123 : memref<96x128xf32, #tpu.memory_space<vmem>>) dst(%dma_wait3A_120 : memref<96x128xf32, #tpu.memory_space<hbm>>)
          } else {
          }
        } else {
        }
      }
      %scan3A_73 = arith.constant 0 : i32
      scf.yield %scan3A_73 : i32
    }
    %scan3A_63 = arith.constant 14 : i32
    "tpu.trace_stop"() : () -> ()
    return
  }
}

</mosaic_0001>

<sc_bundles>
// kernel: kernel.3.cloned.1.call-start
scs
__scs_entry_jumppad:
0x0: {  	(pc) =	sbr.rel $0x88, $3  }
0x1: {  	(tag) =	ssettag $0x0;
	lr =	simm.s32 $0x1  }
0x2: {  	[smem:$0x3F9D] =	sst lr;
	_ =	strace $0xD0000000  }
0x3: {  	_ = 	snop  }
0x4: {  	_ = 	snop  }
0x5: {  	_ = 	snop  }
0x6: {  	_ = 	snop  }
0x7: {  	_ = 	snop  }
__scs_overlays_trampoline_lowered:
0x8: {  	[smem:$0x3FAC] =	sst s0  }
0x9: {  	[smem:$0x3FAD] =	sst s1  }
0xa: {  	[smem:$0x3FAE] =	sst s2  }
0xb: {  	[smem:$0x3FAF] =	sst s3  }
0xc: {  	[smem:$0x3FB0] =	sst s4  }
0xd: {  	[smem:$0x3FB1] =	sst s5  }
0xe: {  	[smem:$0x3FB2] =	sst s6  }
0xf: {  	[smem:$0x3FB3] =	sst s7  }
0x10: {  	[smem:$0x3FB4] =	sst s8  }
0x11: {  	[smem:$0x3FB5] =	sst s9;
	s0 =	simm.s32 @!p0 $0x0  }
0x12: {  	s1 =	sld [smem:$0x3F9B];
	s0 =	simm.s32 @p0 $0x1  }
0x13: {  	[smem:$0x3FB6] =	sst s0;
	s0 =	simm.s32 @!p1 $0x0  }
0x14: {  	s2 =	sld [smem:$0x3F9A];
	s0 =	simm.s32 @p1 $0x1  }
0x15: {  	[smem:$0x3FB7] =	sst s0;
	s0 =	simm.s32 @!p2 $0x0  }
0x16: {  	s3 =	sld [smem:$0x3FDB];
	s0 =	simm.s32 @p2 $0x1  }
0x17: {  	s4 =	simm.s32 $0x1BF5;
	[smem:$0x3FB9] =	sst s0  }
0x18: {  	s0 =	sld [smem:$0x3F9C];
	_ =	swait.ge [sflag:s4], $0x0  }
0x19: {  	s7 =	sld [smem:$0x3F9D]  }
0x1a: {  	s8 =	sadd.s32 $0xFFFFE003, lr  }
0x1b: {  	s9 =	sadd.s32 $0xFFFFFEF7, lr;
	s5 =	simm.s32 $0xFFFFFFFF;
	p2 =	slt.u32 s8, $0xFFFFF086  }
0x1c: {  	p1 =	slt.u32 s9, $0xF7A;
	s5 =	simm.s32 @!p2 $0x0  }
0x1d: {  	s5 =	simm.s32 @p1 $0x1;
	p0 =	seq.s32 s7, s2  }
0x1e: {  	s7 =	smul.u32 @!p0 $0xF7A, s2;
	p2 =	seq.s32 @!p0 s5, $0x0  }
0x1f: {  	s9 =	smul.u32 $0xF7A, s1;
	s8 =	simm.s32 @!p0 $0x1BF5;
	p2 =	por !p2, p0  }
0x20: {  	[sflag:s8] =	ssyncset.s32 @!p0 $0xFFFFF086;
	s6 =	sadd.s32 @!p0 s3, s7;
	s7 =	simm.s32 @!p0 $0x108  }
0x21: {  	s3 =	sadd.s32 s3, s9;
	s6 =	sadd.s32 @!p0 $0x88, s6;
	s7 =	simm.s32 @p2 $0x1082  }
0x22: {  	[simem:s7], [sflag:s8] =	dma.local @!p0 [hbm:s6], $0xF7A  }
0x23: {  	s9 =	sor.u32 $0xD0000000, s2;
	s6 =	simm.s32 $0x108;
	_ =	swait.ge @!p0 [sflag:s8], $0x0  }
0x24: {  	s3 =	sadd.s32 $0x88, s3;
	s6 =	simm.s32 @!p1 $0x1082;
	[sflag:s4] =	ssyncset.s32 $0xFFFFF086  }
0x25: {  	[simem:s6], [sflag:s4] =	dma.local [hbm:s3], $0xF7A  }
0x26: {  	[smem:$0x3F9D] =	sst s1;
	(tag) =	ssettag s2;
	_ =	strace s9  }
0x27: {  	s1 =	sld [smem:$0x3FAD]  }
0x28: {  	s2 =	sld [smem:$0x3FAE]  }
0x29: {  	s4 =	sld [smem:$0x3FB0]  }
0x2a: {  	p0 =	seq.s32 s5, $0x0;
	s5 =	sld [smem:$0x3FB1]  }
0x2b: {  	s6 =	sld [smem:$0x3FB2]  }
0x2c: {  	s7 =	sld [smem:$0x3FB3]  }
0x2d: {  	s3 =	simm.s32 $0x108;
	s8 =	sld [smem:$0x3FB4]  }
0x2e: {  	s3 =	simm.s32 @!p0 $0x1082;
	s9 =	sld [smem:$0x3FB5]  }
0x2f: {  	lr =	sadd.s32 s0, s3;
	s0 =	sld [smem:$0x3FAC]  }
0x30: {  	s3 =	sld [smem:$0x3FAF]  }
0x31: {  	[smem:$0x3FB8] =	sst s10  }
0x32: {  	s10 =	sld [smem:$0x3FB6];
	_ =	sdelay $0x3  }
0x33: {  	p0 =	seq.s32 s10, $0x1;
	s10 =	sld [smem:$0x3FB8];
	_ =	sdelay $0x3  }
0x34: {  	[smem:$0x3FB8] =	sst s10  }
0x35: {  	s10 =	sld [smem:$0x3FB7];
	_ =	sdelay $0x3  }
0x36: {  	p1 =	seq.s32 s10, $0x1;
	s10 =	sld [smem:$0x3FB8];
	_ =	sdelay $0x3  }
0x37: {  	[smem:$0x3FB8] =	sst s10  }
0x38: {  	s10 =	sld [smem:$0x3FB9]  }
0x39: {  	_ = 	snop;
	(pc) =	sbr.ind lr, $3  }
0x3a: {  	_ = 	snop  }
0x3b: {  	_ = 	snop  }
0x3c: {  	p2 =	seq.s32 s10, $0x1;
	s10 =	sld [smem:$0x3FB8]  }
0x3d: {  	_ =	shalt  }
0x3e: {  	_ =	shalt  }
0x3f: {  	_ =	shalt  }
0x40: {  	_ =	shalt  }
0x41: {  	_ =	shalt  }
0x42: {  	_ =	shalt  }
0x43: {  	_ =	shalt  }
0x44: {  	_ =	shalt  }
0x45: {  	_ =	shalt  }
0x46: {  	_ =	shalt  }
0x47: {  	_ =	shalt  }
0x48: {  	_ =	shalt  }
0x49: {  	_ =	shalt  }
0x4a: {  	_ =	shalt  }
0x4b: {  	_ =	shalt  }
0x4c: {  	_ =	shalt  }
0x4d: {  	_ =	shalt  }
0x4e: {  	_ =	shalt  }
0x4f: {  	_ =	shalt  }
0x50: {  	_ =	shalt  }
0x51: {  	_ =	shalt  }
0x52: {  	_ =	shalt  }
0x53: {  	_ =	shalt  }
0x54: {  	_ =	shalt  }
0x55: {  	_ =	shalt  }
0x56: {  	_ =	shalt  }
0x57: {  	_ =	shalt  }
0x58: {  	_ =	shalt  }
0x59: {  	_ =	shalt  }
0x5a: {  	_ =	shalt  }
0x5b: {  	_ =	shalt  }
0x5c: {  	_ =	shalt  }
0x5d: {  	_ =	shalt  }
0x5e: {  	_ =	shalt  }
0x5f: {  	_ =	shalt  }
0x60: {  	_ =	shalt  }
0x61: {  	_ =	shalt  }
0x62: {  	_ =	shalt  }
0x63: {  	_ =	shalt  }
0x64: {  	_ =	shalt  }
0x65: {  	_ =	shalt  }
0x66: {  	_ =	shalt  }
0x67: {  	_ =	shalt  }
0x68: {  	_ =	shalt  }
0x69: {  	_ =	shalt  }
0x6a: {  	_ =	shalt  }
0x6b: {  	_ =	shalt  }
0x6c: {  	_ =	shalt  }
0x6d: {  	_ =	shalt  }
0x6e: {  	_ =	shalt  }
0x6f: {  	_ =	shalt  }
0x70: {  	_ =	shalt  }
0x71: {  	_ =	shalt  }
0x72: {  	_ =	shalt  }
0x73: {  	_ =	shalt  }
0x74: {  	_ =	shalt  }
0x75: {  	_ =	shalt  }
0x76: {  	_ =	shalt  }
0x77: {  	_ =	shalt  }
0x78: {  	_ =	shalt  }
0x79: {  	_ =	shalt  }
0x7a: {  	_ =	shalt  }
0x7b: {  	_ =	shalt  }
0x7c: {  	_ =	shalt  }
0x7d: {  	_ =	shalt  }
0x7e: {  	_ =	shalt  }
0x7f: {  	_ =	shalt  }
0x80: {  	_ =	shalt  }
0x81: {  	_ =	shalt  }
0x82: {  	_ =	shalt  }
0x83: {  	_ =	shalt  }
0x84: {  	_ =	shalt  }
0x85: {  	_ =	shalt  }
0x86: {  	_ =	shalt  }
0x87: {  	_ =	shalt  }
.Lfunc_end0:
.L_simem_size_0:
called_computation_lowered:
.L_overlay_start_0:
0x88: {  	s2 =	sld [smem:$0x3FD9]  }
0x89: {  	s3 =	sld [smem:$0x3FFE];
	_ =	sdelay $0x1  }
0x8a: {  	s1 =	srdreg.scid  }
0x8b: {  	s0 =	sand.u32 $0x1, s1  }
0x8c: {  	s14 =	sshll.u32 s0, $0xA;
	s2 =	sadd.s32 s3, s2  }
0x8d: {  	s2 =	sadd.s32 s2, s14  }
0x8e: {  	[smem:$0x3FC4] =	sst s2  }
0x8f: {  	_ = 	snop  }
0x90: {  	s2 =	sld [smem:$0x3FD0]  }
0x91: {  	s15 =	sld [smem:$0x3FC9]  }
0x92: {  	s4 =	sld [smem:$0x3FC7]  }
0x93: {  	s6 =	simm.s32 $0xA;
	s7 =	simm.s32 $0x10;
	s5 =	sld [smem:$0x3FC6]  }
0x94: {  	[smem:s7], [sflag:s6] =	dma.local [hbm:s2], $0x1  }
0x95: {  	_ =	swait.eq [sflag:s6], $0x1  }
0x96: {  	[sflag:s6] =	ssyncset.done $0x0  }
0x97: {  	s16 =	sld [smem:$0x10];
	[sflag:s6] =	ssyncadd.s32 $0xFFFFFFFF  }
0x98: {  	s17 =	sld [smem:$0x11];
	(tm) =	ssettm $0x1  }
0x99: {  	s18 =	sld [smem:$0x3FFB];
	_ =	sdelay $0x3  }
0x9a: {  	_ =	strace s18  }
0x9b: {  	s7 =	sld [smem:$0x3FFC];
	_ =	sdelay $0x3  }
0x9c: {  	_ =	strace s7  }
0x9d: {  	s7 =	sld [smem:$0x3FFD];
	_ =	sdelay $0x3  }
0x9e: {  	_ =	strace s7  }
0x9f: {  	_ =	strace $0x8FFFFFFF  }
0xa0: {  	s19 =	sld [smem:$0x3FDB];
	_ =	sdelay $0x1  }
0xa1: {  	s8 =	simm.s32 $_scs_section_size  }
0xa2: {  	s9 =	simm.s32 $_size__tile_overlayer_lowered;
	s10 =	simm.s32 $_tile_overlayer_lowered  }
0xa3: {  	s22 =	simm.s32 $0x1BFF;
	s21 =	sshll.u32 s10, $0x1;
	s7 =	sadd.s32 s8, s19  }
0xa4: {  	s11 =	simm.s32 $0x0;
	s20 =	sshll.u32 s9, $0x1;
	s9 =	sadd.s32 s21, s7  }
0xa5: {  	[timem:s11], [sflag:s22] =	dma.local [hbm:s9], s20  }
0xa6: {  	_ =	swait.ge [sflag:s22], s20  }
0xa7: {  	s8 =	ssub.s32 $0x0, s20;
	[sflag:s22] =	ssyncset.done $0x0  }
0xa8: {  	[sflag:s22] =	ssyncadd.s32 s8;
	_ =	sdelay $0x1  }
0xa9: {  	s23 =	simm.s32 $0x1B8B  }
0xaa: {  	_ =	swait.ge [sflag:s23], $0x1  }
0xab: {  	[sflag:s23] =	ssyncset.done $0x0  }
0xac: {  	s25 =	simm.s32 $0x1B8E;
	s24 =	sld [smem:$0x3FFE];
	[sflag:s23] =	ssyncadd.s32 $0xFFFFFFFF  }
0xad: {  	s26 =	simm.s32 $execute0_lowered;
	[smem:$0x3FD2] =	sst s25  }
0xae: {  	s9 =	sshll.u32 s26, $0x1;
	_ =	strace $0x80000046;
	[dreg:$0x1] =	wrdreg $0xFFFFFFFF  }
0xaf: {  	s28 =	simm.s32 $_size_execute0_lowered;
	s7 =	sadd.s32 s7, s9;
	[dreg:$0x0] =	wrdreg $0x0  }
0xb0: {  	s9 =	sshll.u32 s28, $0x1;
	[dreg:$0x2] =	wrdreg s7  }
0xb1: {  	[dreg:$0x3] =	wrdreg s9  }
0xb2: {  	[dreg:$0x4] =	wrdreg $0xC0  }
0xb3: {  	_ =	task [dreg:s11], $0x5FFFF  }
0xb4: {  	[dreg:$0x1] =	wrdreg $0xFFFFFFFF  }
0xb5: {  	[dreg:$0x0] =	wrdreg $0x60  }
0xb6: {  	[dreg:$0x2] =	wrdreg s15  }
0xb7: {  	[dreg:$0x3] =	wrdreg s17  }
0xb8: {  	[dreg:$0x4] =	wrdreg s4  }
0xb9: {  	[dreg:$0x5] =	wrdreg s5  }
0xba: {  	[dreg:$0x6] =	wrdreg s16  }
0xbb: {  	[dreg:$0x7] =	wrdreg s24  }
0xbc: {  	[dreg:$0x8] =	wrdreg $0x9  }
0xbd: {  	_ =	task.clear_ibuf [dreg:s11], $0x9FFFF;
	_ =	strace $0x90000046  }
0xbe: {  	s29 =	simm.s32 $0x9;
	_ =	strace $0x8000004E  }
0xbf: {  	_ =	swait.ge [sflag:s29], $0x1  }
0xc0: {  	[sflag:s29] =	ssyncadd.s32 $0xFFFFFFFF  }
0xc1: {  	_ =	strace $0x9000004E  }
0xc2: {  	_ =	sfence  }
0xc3: {  	s30 =	sld [smem:$0x0];
	_ =	sdelay $0x2  }
0xc4: {  	s31 =	sshll.u32 s1, $0xD;
	s1 =	sshrl.u32 s1, $0x2  }
0xc5: {  	s3 =	sand.u32 $0x4000, s31;
	s1 =	sadd.s32 s1, s30  }
0xc6: {  	s0 =	sor.u32 s3, s0;
	s1 =	sshll.u32 s1, $0x11  }
0xc7: {  	s0 =	sor.u32 s1, s0  }
0xc8: {  	s0 =	sadd.s32 $0x8F2B, s0  }
0xc9: {  	[sflag:s0] =	ssyncadd.remote.s32 $0x1  }
0xca: {  	_ =	sfence.sel $0xFFFF  }
0xcb: {  	[dreg:$0x0] =	wrdreg $0xFFFFFFFF;
	(pc) =	sbr.abs _section_cstart, $3  }
0xcc: {  	[dreg:$0x1] =	wrdreg $0xFFFFFFFF  }
0xcd: {  	_ =	task.clear_ibuf [dreg:s11], $0x2FFFF;
	_ =	strace $0x9FFFFFFF  }
0xce: {  	(tm) =	ssettm $0x7FFFFFFF  }
0xcf: {  	_ =	shalt  }
tec
execute0_lowered:
.L_overlay_start_1:
0x0: {  	(tag) =	ssettag $0x1  }
0x1: {  	s0 =	rddreg [dreg:$0x0]  }
0x2: {  	s1 =	rddreg [dreg:$0x1]  }
0x3: {  	s2 =	rddreg [dreg:$0x3]  }
0x4: {  	s4 =	rddreg [dreg:$0x4];
	s3 =	srdreg.scid  }
0x5: {  	s13 =	stileid.u32;
	s8 =	rddreg [dreg:$0x5]  }
0x6: {  	s5 =	simm.s32 $0x0;
	s31 =	simm.s32 $0xFF50;
	s3 =	sand.u32 $0x1, s3  }
0x7: {  	s6 =	sshll.u32 s13, $0x1;
	[smem:$0x7FF] =	sst s5;
	s7 =	sadd.s32 $0x800, s8  }
0x8: {  	s17 =	smul.u32 $0xE0, s13;
	s18 =	sadd.s32 $0x4E00, s1;
	s21 =	sadd.s32 $0x5600, s8  }
0x9: {  	s23 =	sadd.s32 $0xD4F4, s8;
	s30 =	sadd.s32 $0x1D4600, s4;
	s6 =	sor.u32 s3, s6  }
0xa: {  	_ =	strace $0x80000047;
	[dreg:$0xf] =	wrdreg s18;
	s19 =	smul.u32 $0x70, s3  }
0xb: {  	s9 =	ssub.s32 $0x2, s3;
	[dreg:$0x11] =	wrdreg s21;
	s22 =	smul.u32 $0xFFFFFF90, s3  }
0xc: {  	[dreg:$0x13] =	wrdreg s23;
	s23 =	sadd.s32 $0x86E8, s8;
	s12 =	smul.u32 $0x2700, s6  }
0xd: {  	s11 =	sshrl.u32 s9, $0x1;
	s14 =	smul.u32 $0x1380, s6;
	s24 =	sadd.s32 s19, s17  }
0xe: {  	s9 =	ssub.s32 s9, s11;
	s25 =	sadd.s32 s0, s12;
	[dreg:$0x14] =	wrdreg s24  }
0xf: {  	s26 =	sadd.s32 s4, s12;
	s16 =	sshrl.u32 s14, $0x3;
	[dreg:$0x7] =	wrdreg s25  }
0x10: {  	[dreg:$0x8] =	wrdreg s26;
	s12 =	sadd.s32 s1, s16;
	s1 =	sadd.s32 $0x9C20, s1  }
0x11: {  	s10 =	smul.u32 $0x13800, s6;
	s25 =	smax.u32 s9, $0x1;
	[dreg:$0x12] =	wrdreg s1  }
0x12: {  	v0 =	vimm.s32 $0x0;
	s3 =	simm.s32 $0x3;
	s26 =	sadd.s32 $0x4E000, s4;
	[dreg:$0x16] =	wrdreg s25  }
0x13: {  	v1 =	vimm.s32 $0x7FFFFFFF;
	v2 =	vimm.f32 $0.0e+00;
	v3 =	vlaneseq.u32;
	p0 =	sne.s32 s6, $0x0;
	s10 =	sshrl.u32 s10, $0x3;
	[dreg:$0x17] =	wrdreg s26  }
0x14: {  	v4 =	vimm.s32 $0x1FFF;
	v5 =	vimm.s32 $0x2000;
	v6 =	vimm.s32 $0x13121110;
	s28 =	sadd.s32 $0xD00, s10;
	s20 =	sadd.s32 s7, s16;
	[dreg:$0xe] =	wrdreg s12  }
0x15: {  	v7 =	vimm.s32 $0x17161514;
	v8 =	vimm.s32 $0x76543210;
	v9 =	vimm.s32 $0xFEDCBA98;
	s19 =	simm.s32 $0x4;
	s29 =	sadd.s32 s0, s28;
	[dreg:$0x10] =	wrdreg s20  }
0x16: {  	v10 =	vimm.s32 $0x1B1A1918;
	v11 =	vimm.s32 $0x1F1E1D1C;
	v6 =	vunpack.c.0.s8.s32 v6;
	s10 =	sadd.s32 $0x1A00, s10;
	s11 =	sadd.s32 s4, s28;
	[dreg:$0x9] =	wrdreg s29  }
0x17: {  	v7 =	vunpack.c.0.s8.s32 v7;
	v8 =	vunpack.c.l.s4.s8 v8;
	v9 =	vunpack.c.l.s4.s8 v9;
	s24 =	sadd.s32 $0x105DC, s8;
	s15 =	sadd.s32 s0, s10;
	[dreg:$0xa] =	wrdreg s11  }
0x18: {  	vm0 =	vcmask $0x1F10;
	v10 =	vunpack.c.0.s8.s32 v10;
	v11 =	vunpack.c.0.s8.s32 v11;
	s8 =	simm.s32 $0x5710;
	s10 =	sadd.s32 s4, s10;
	[dreg:$0xb] =	wrdreg s15  }
0x19: {  	v7 =	vsel vm0, v7, v6;
	v8 =	vunpack.c.0.s8.s32 v8;
	v6 =	vunpack.c.0.s8.s32 v9;
	s14 =	simm.s32 $0x1;
	s0 =	sadd.s32 $0x4E000, s0;
	[dreg:$0xc] =	wrdreg s10  }
0x1a: {  	v9 =	vand.u32 $0x7, v3;
	v10 =	vsel vm0, v11, v10;
	v11 =	vand.u32 $0x3, v3;
	s9 =	simm.s32 $0x6350;
	s28 =	sadd.s32 $0x4E20, s12;
	[dreg:$0xd] =	wrdreg s0  }
0x1b: {  	v11 =	vmul.u32 $0x2, v11;
	v12 =	vand.u32 $0xF, v6;
	v6 =	vmul.u32 $0x2, v3;
	s1 =	simm.s32 $0x2710;
	s0 =	ssub.s32 s22, s17;
	[dreg:$0x18] =	wrdreg s28  }
0x1c: {  	v7 =	vcombine.low v8, v7;
	v8 =	vor.u32 $0xFFFFFFF0, v9;
	v9 =	vcombine.low v12, v10;
	s12 =	simm.s32 $0x70;
	s29 =	sadd.s32 $0x7EF4, s20;
	[dreg:$0x15] =	wrdreg s0  }
0x1d: {  	v10 =	vor.u32 $0x2710, v3;
	v11 =	vor.u32 $0xFFFFFFF8, v11;
	v12 =	vor.u32 $0x1, v6;
	s10 =	simm.s32 $0x6F90;
	s20 =	simm.s32 $0x0;
	[dreg:$0x19] =	wrdreg s29  }
.LBB2_1:
0x1e: {  	_ =	strace $0x80000048  }
0x1f: {  	s0 =	rddreg [dreg:$0x7]  }
0x20: {  	[tilespmem:s31], [sflag:$0x3] =	stream.linear.gather [hbm4b:s0+s5], $0x6800, $0x200038;
	[tilespmem:$0x16F50] =	vst v63  }
0x21: {  	_ =	swait.ge [sflag:s3], $0x6800  }
0x22: {  	[sflag:s3] =	ssyncset.done $0x0  }
0x23: {  	s11 =	rddreg [dreg:$0x8];
	[sflag:s3] =	ssyncadd.s32 $0xFFFF9800  }
0x24: {  	[hbm4b:s11+s5] =	stream.linear.scatter [tilespmem:s31], [sflag:$0x3], $0x6800, $0x200038;
	[tilespmem:$0x16F50] =	vst v63  }
0x25: {  	_ =	swait.ge [sflag:s3], $0x6800  }
0x26: {  	[sflag:s3] =	ssyncset.done $0x0  }
0x27: {  	s13 =	rddreg [dreg:$0x9];
	[sflag:s3] =	ssyncadd.s32 $0xFFFF9800  }
0x28: {  	[tilespmem:s31], [sflag:$0x3] =	stream.linear.gather [hbm4b:s13+s5], $0x6800, $0x200038;
	[tilespmem:$0x16F50] =	vst v63  }
0x29: {  	_ =	swait.ge [sflag:s3], $0x6800  }
0x2a: {  	[sflag:s3] =	ssyncset.done $0x0  }
0x2b: {  	s15 =	rddreg [dreg:$0xa];
	[sflag:s3] =	ssyncadd.s32 $0xFFFF9800  }
0x2c: {  	[hbm4b:s15+s5] =	stream.linear.scatter [tilespmem:s31], [sflag:$0x3], $0x6800, $0x200038;
	[tilespmem:$0x16F50] =	vst v63  }
0x2d: {  	_ =	swait.ge [sflag:s3], $0x6800  }
0x2e: {  	[sflag:s3] =	ssyncset.done $0x0  }
0x2f: {  	s16 =	rddreg [dreg:$0xb];
	[sflag:s3] =	ssyncadd.s32 $0xFFFF9800  }
0x30: {  	[tilespmem:s31], [sflag:$0x3] =	stream.linear.gather [hbm4b:s16+s5], $0x6800, $0x200038;
	[tilespmem:$0x16F50] =	vst v63  }
0x31: {  	_ =	swait.ge [sflag:s3], $0x6800  }
0x32: {  	[sflag:s3] =	ssyncset.done $0x0  }
0x33: {  	s17 =	rddreg [dreg:$0xc];
	[sflag:s3] =	ssyncadd.s32 $0xFFFF9800  }
0x34: {  	[hbm4b:s17+s5] =	stream.linear.scatter [tilespmem:s31], [sflag:$0x3], $0x6800, $0x200038;
	[tilespmem:$0x16F50] =	vst v63  }
0x35: {  	_ =	swait.ge [sflag:s3], $0x6800  }
0x36: {  	s0 =	simm.s32 @!p0 $0x0;
	[sflag:s3] =	ssyncset.done $0x0  }
0x37: {  	s11 =	simm.s32 @!p0 $0xFF50;
	s13 =	rddreg [dreg:$0xd];
	[sflag:s3] =	ssyncadd.s32 $0xFFFF9800  }
0x38: {  	[tilespmem:s11], [sflag:$0x3] =	stream.linear.gather @!p0 [hbm4b:s13+s0], $0x1000, $0x200038;
	[tilespmem:$0x16F50] =	vst v63  }
0x39: {  	s13 =	simm.s32 @!p0 $0x3  }
0x3a: {  	_ =	swait.ge @!p0 [sflag:s13], $0x1000  }
0x3b: {  	[sflag:s13] =	ssyncset.done @!p0 $0x0  }
0x3c: {  	s15 =	rddreg [dreg:$0x17];
	[sflag:s13] =	ssyncadd.s32 @!p0 $0xFFFFF000  }
0x3d: {  	[hbm4b:s15+s0] =	stream.linear.scatter @!p0 [tilespmem:s11], [sflag:$0x3], $0x1000, $0x200038;
	[tilespmem:$0x16F50] =	vst v63  }
0x3e: {  	_ =	swait.ge @!p0 [sflag:s13], $0x1000  }
0x3f: {  	[sflag:s13] =	ssyncset.done @!p0 $0x0  }
0x40: {  	[sflag:s13] =	ssyncadd.s32 @!p0 $0xFFFFF000  }
0x41: {  	_ =	strace $0x90000048  }
0x42: {  	_ =	strace $0x80000049  }
0x43: {  	s21 =	simm.s32 $0x7BD0;
	s18 =	rddreg [dreg:$0xe]  }
0x44: {  	[tilespmem:s21], [sflag:$0x3] =	stream.linear.gather [hbm4b:s18+s5], $0x1380, $0x200038;
	[tilespmem:$0x16F50] =	vst v63  }
0x45: {  	_ =	swait.ge [sflag:s3], $0x1380  }
0x46: {  	[sflag:s3] =	ssyncset.done $0x0  }
0x47: {  	s22 =	rddreg [dreg:$0x10];
	[sflag:s3] =	ssyncadd.s32 $0xFFFFEC80  }
0x48: {  	[hbm4b:s22+s5] =	stream.linear.scatter [tilespmem:s21], [sflag:$0x3], $0x1380, $0x200038;
	[tilespmem:$0x16F50] =	vst v63  }
0x49: {  	_ =	swait.ge [sflag:s3], $0x1380  }
0x4a: {  	[sflag:s3] =	ssyncset.done $0x0  }
0x4b: {  	s25 =	rddreg [dreg:$0x18];
	[sflag:s3] =	ssyncadd.s32 $0xFFFFEC80  }
0x4c: {  	[tilespmem:s21], [sflag:$0x3] =	stream.linear.gather [hbm4b:s25+s5], $0x1380, $0x200038;
	[tilespmem:$0x16F50] =	vst v63  }
0x4d: {  	_ =	swait.ge [sflag:s3], $0x1380  }
0x4e: {  	[sflag:s3] =	ssyncset.done $0x0  }
0x4f: {  	s26 =	rddreg [dreg:$0x19];
	[sflag:s3] =	ssyncadd.s32 $0xFFFFEC80  }
0x50: {  	[hbm4b:s26+s5] =	stream.linear.scatter [tilespmem:s21], [sflag:$0x3], $0x1380, $0x200038;
	[tilespmem:$0x16F50] =	vst v63  }
0x51: {  	_ =	swait.ge [sflag:s3], $0x1380  }
0x52: {  	[sflag:s3] =	ssyncset.done $0x0  }
0x53: {  	s11 =	simm.s32 @!p0 $0x7BD0;
	s15 =	rddreg [dreg:$0xf];
	[sflag:s3] =	ssyncadd.s32 $0xFFFFEC80  }
0x54: {  	[tilespmem:s11], [sflag:$0x3] =	stream.linear.gather @!p0 [hbm4b:s15+s0], $0x100, $0x200038;
	[tilespmem:$0x16F50] =	vst v63  }
0x55: {  	_ =	swait.ge @!p0 [sflag:s13], $0x100  }
0x56: {  	[sflag:s13] =	ssyncset.done @!p0 $0x0  }
0x57: {  	s15 =	rddreg [dreg:$0x11];
	[sflag:s13] =	ssyncadd.s32 @!p0 $0xFFFFFF00  }
0x58: {  	[hbm4b:s15+s0] =	stream.linear.scatter @!p0 [tilespmem:s11], [sflag:$0x3], $0x100, $0x200038;
	[tilespmem:$0x16F50] =	vst v63  }
0x59: {  	_ =	swait.ge @!p0 [sflag:s13], $0x100  }
0x5a: {  	[sflag:s13] =	ssyncset.done @!p0 $0x0  }
0x5b: {  	s15 =	rddreg [dreg:$0x12];
	[sflag:s13] =	ssyncadd.s32 @!p0 $0xFFFFFF00  }
0x5c: {  	[tilespmem:s11], [sflag:$0x3] =	stream.linear.gather @!p0 [hbm4b:s15+s0], $0x100, $0x200038;
	[tilespmem:$0x16F50] =	vst v63  }
0x5d: {  	_ =	swait.ge @!p0 [sflag:s13], $0x100  }
0x5e: {  	[sflag:s13] =	ssyncset.done @!p0 $0x0  }
0x5f: {  	s15 =	rddreg [dreg:$0x13];
	[sflag:s13] =	ssyncadd.s32 @!p0 $0xFFFFFF00  }
0x60: {  	[hbm4b:s15+s0] =	stream.linear.scatter @!p0 [tilespmem:s11], [sflag:$0x3], $0x100, $0x200038;
	[tilespmem:$0x16F50] =	vst v63  }
0x61: {  	_ =	swait.ge @!p0 [sflag:s13], $0x100  }
0x62: {  	[sflag:s13] =	ssyncset.done @!p0 $0x0  }
0x63: {  	[sflag:s13] =	ssyncadd.s32 @!p0 $0xFFFFFF00  }
0x64: {  	_ =	strace $0x90000049  }
0x65: {  	_ =	strace $0x8000004A  }
0x66: {  	s29 =	rddreg [dreg:$0x2]  }
0x67: {  	[tilespmem:s5], [sflag:$0x3] =	stream.linear.gather [hbm4b:s29+s5], $0x2710, $0x200038;
	[tilespmem:$0x16F50] =	vst v63  }
0x68: {  	_ =	swait.ge [sflag:s3], $0x2710  }
0x69: {  	[sflag:s3] =	ssyncset.done $0x0  }
0x6a: {  	s21 =	simm.s32 $0x0;
	[sflag:s3] =	ssyncadd.s32 $0xFFFFD8F0  }
0x6b: {  	v13 =	vld [tilespmem:s21+$0x0];
	_ =	sdelay $0x3  }
0x6c: {  	s15 =	simm.s32 $0x10  }
0x6d: {  	v15 =	vld [tilespmem:s15+$0x0];
	v14 =	vtrunc.f32 v13  }
0x6e: {  	v14 =	vcvt.f32.s32 v14;
	_ =	sdelay $0x1  }
0x6f: {  	v16 =	vcvt.s32.f32 v14;
	_ =	sdelay $0x1  }
0x70: {  	s25 =	simm.s32 $0x20;
	v17 =	vtrunc.f32 v15;
	v13 =	vsub.f32 v13, v16  }
0x71: {  	v17 =	vcvt.f32.s32 v17;
	v18 =	vand.u32 $0x1, v14;
	v16 =	vld [tilespmem:s25+$0x0]  }
0x72: {  	vm1 =	veq.s32 v18, $0x1;
	vm0 =	veq.f32 v13, $5.000000000e-01  }
0x73: {  	vm2 =	vgt.f32 v13, $5.000000000e-01;
	v13 =	vcvt.s32.f32 v17;
	vm0 =	vmand vm0, vm1  }
0x74: {  	vm0 =	vmor vm2, vm0  }
0x75: {  	s22 =	simm.s32 $0x30;
	v13 =	vsub.f32 v15, v13;
	v18 =	vsel vm0, $0x1, v0  }
0x76: {  	v19 =	vand.u32 $0x1, v17;
	v15 =	vtrunc.f32 v16;
	v14 =	vadd.s32 v14, v18;
	v18 =	vld [tilespmem:s22+$0x0]  }
0x77: {  	vm13 =	veq.s32 v19, $0x1;
	v15 =	vcvt.f32.s32 v15;
	vm12 =	veq.f32 v13, $5.000000000e-01  }
0x78: {  	vm15 =	vgt.f32 v13, $5.000000000e-01;
	vm14 =	vgt.s32 v14, $0x0;
	vm0 =	vmand vm12, vm13  }
0x79: {  	v13 =	vnsel vm14, $0x0, v14;
	v14 =	vcvt.s32.f32 v15;
	vm0 =	vmor vm15, vm0  }
0x7a: {  	s26 =	simm.s32 $0x40;
	v21 =	vmin.u32 v13, $0x5;
	v13 =	vsel vm0, $0x1, v0  }
0x7b: {  	v14 =	vsub.f32 v16, v14;
	v13 =	vadd.s32 v17, v13;
	v16 =	vld [tilespmem:s26+$0x0];
	v19 =	vtrunc.f32 v18  }
0x7c: {  	vm4 =	vgt.s32 v13, $0x0;
	v17 =	vcvt.f32.s32 v19;
	v19 =	vand.u32 $0x1, v15  }
0x7d: {  	vm5 =	veq.f32 v14, $5.000000000e-01;
	v13 =	vnsel vm4, $0x0, v13;
	vm6 =	veq.s32 v19, $0x1  }
0x7e: {  	vm7 =	vgt.f32 v14, $5.000000000e-01;
	vm1 =	vmand vm5, vm6;
	v14 =	vcvt.s32.f32 v17  }
0x7f: {  	(xrf0) =	vadd.scan.msk.s32 $0xffff, v21;
	v13 =	vmin.u32 v13, $0x5;
	vm0 =	vmor vm7, vm1  }
0x80: {  	v20 =	vtrunc.f32 v16;
	v19 =	vsel vm0, $0x1, v0;
	v14 =	vsub.f32 v18, v14  }
0x81: {  	v18 =	vcvt.f32.s32 v20;
	v20 =	vand.u32 $0x1, v17;
	v15 =	vadd.s32 v15, v19  }
0x82: {  	vm10 =	veq.s32 v20, $0x1;
	vm8 =	vgt.s32 v15, $0x0;
	vm9 =	veq.f32 v14, $5.000000000e-01  }
0x83: {  	vm11 =	vgt.f32 v14, $5.000000000e-01;
	v15 =	vnsel vm8, $0x0, v15;
	vm1 =	vmand vm9, vm10  }
0x84: {  	(xrf0) =	vadd.scan.msk.s32 $0xffff, v13;
	v14 =	vmin.u32 v15, $0x5;
	vm0 =	vmor vm11, vm1  }
0x85: {  	v22, _, _ =	vpop (xrf0);
	(xrf0) =	vadd.scan.msk.s32 $0xffff, v14;
	v23 =	vsel vm0, $0x1, v0  }
0x86: {  	v20 =	vcvt.s32.f32 v18;
	v17 =	vadd.s32 v17, v23  }
0x87: {  	vm12 =	vgt.s32 v17, $0x0  }
0x88: {  	v16 =	vsub.f32 v16, v20;
	v17 =	vnsel vm12, $0x0, v17  }
0x89: {  	(v2sf) =	vpush v22, $0xF  }
0x8a: {  	v15, _, _ =	vpop (xrf0);
	vm13 =	veq.f32 v16, $5.000000000e-01  }
0x8b: {  	s17 =	simm.s32 $0x50;
	vm15 =	vgt.f32 v16, $5.000000000e-01;
	(v2sf) =	vpush v15, $0xF;
	v16 =	vmin.u32 v17, $0x5;
	v17, _, _ =	vpop (xrf0)  }
0x8c: {  	v19 =	vld [tilespmem:s17+$0x0];
	(v2sf) =	vpush v17, $0xF;
	_ =	sdelay $0x3  }
0x8d: {  	s28 =	simm.s32 $0x60;
	v23 =	vand.u32 $0x1, v18  }
0x8e: {  	v25 =	vsub.s32 s5, v21;
	v21 =	vld [tilespmem:s28+$0x0];
	v24 =	vtrunc.f32 v19;
	vm14 =	veq.s32 v23, $0x1  }
0x8f: {  	v20 =	vcvt.f32.s32 v24;
	vm1 =	vmand vm13, vm14  }
0x90: {  	vm0 =	vmor vm15, vm1  }
0x91: {  	s11 =	simm.s32 $0x1C0;
	s0 =	simm.s32 $0x0;
	v22 =	vadd.s32 v22, v25;
	v23 =	vcvt.s32.f32 v20;
	v24 =	vsel vm0, $0x1, v0;
	(xrf0) =	vadd.scan.msk.s32 $0xffff, v16  }
.LBB2_2:
0x92: {  	s13 =	sshra.s32 s11, $0x2  }
0x93: {  	v26 =	vtrunc.f32 v21;
	v23 =	vsub.f32 v19, v23;
	v24 =	vadd.s32 v18, v24;
	[tilespmem:s21+$0x2710] =	vst v22;
	v19 =	vmovc v21;
	s21 =	smov.u32 s15;
	s15 =	smov.u32 s25;
	p1 =	sne.s32 s11, $0x9C00  }
.Ltmp0:
0x94: {  	s11 =	sadd.s32 $0x40, s11;
	v27 =	vand.u32 $0x1, v20;
	v18 =	vmovc v20;
	v25 =	vmovc v16;
	v21 =	vld [tilespmem:s13+$0x0];
	vm0 =	vgt.s32 v24, $0x0;
	v20 =	vcvt.f32.s32 v26;
	(pc) =	sbr.rel @p1 .LBB2_2-.Ltmp0, $4  }
0x95: {  	v22 =	vmovc v15;
	v15 =	vmovc v17;
	s25 =	smov.u32 s22;
	s22 =	smov.u32 s26;
	vm2 =	veq.s32 v27, $0x1;
	vm1 =	veq.f32 v23, $5.000000000e-01;
	v16 =	vnsel vm0, $0x0, v24;
	s16 =	spop (v2sf)  }
0x96: {  	s26 =	smov.u32 s17;
	s17 =	smov.u32 s28;
	vm0 =	vgt.f32 v23, $5.000000000e-01;
	vm1 =	vmand vm1, vm2;
	v16 =	vmin.u32 v16, $0x5;
	s0 =	sadd.s32 s0, s16  }
0x97: {  	s28 =	smov.u32 s13;
	v23 =	vcvt.s32.f32 v20;
	vm0 =	vmor vm0, vm1;
	(xrf0) =	vadd.scan.msk.s32 $0xffff, v16;
	v17, _, _ =	vpop (xrf0);
	v26 =	vsub.s32 s0, v13  }
0x98: {  	v13 =	vmovc v14;
	v14 =	vmovc v25;
	v24 =	vsel vm0, $0x1, v0;
	(v2sf) =	vpush v17, $0xF;
	v22 =	vadd.s32 v22, v26  }
0x99: {  	v25 =	vtrunc.f32 v21  }
0x9a: {  	v51 =	vcvt.f32.s32 v25  }
0x9b: {  	v19 =	vsub.f32 v19, v23  }
0x9c: {  	v52 =	vand.u32 $0x1, v20;
	v53 =	vcvt.s32.f32 v51  }
0x9d: {  	v18 =	vadd.s32 v18, v24;
	vm1 =	veq.s32 v52, $0x1;
	vm0 =	veq.f32 v19, $5.000000000e-01  }
0x9e: {  	vm10 =	vgt.f32 v19, $5.000000000e-01;
	vm0 =	vmand vm0, vm1;
	v54 =	vsub.f32 v21, v53  }
0x9f: {  	vm2 =	vgt.s32 v18, $0x0;
	v56 =	vand.u32 $0x1, v51;
	vm0 =	vmor vm10, vm0  }
0xa0: {  	vm12 =	veq.s32 v56, $0x1;
	v55 =	vsel vm0, $0x1, v0;
	vm11 =	veq.f32 v54, $5.000000000e-01  }
0xa1: {  	v57 =	vadd.s32 v20, v55;
	vm13 =	vgt.f32 v54, $5.000000000e-01;
	vm0 =	vmand vm11, vm12  }
0xa2: {  	v18 =	vnsel vm2, $0x0, v18;
	vm14 =	vgt.s32 v57, $0x0;
	vm0 =	vmor vm13, vm0  }
0xa3: {  	v18 =	vmin.u32 v18, $0x5;
	v58 =	vnsel vm14, $0x0, v57;
	v59 =	vsel vm0, $0x1, v0  }
0xa4: {  	(xrf0) =	vadd.scan.msk.s32 $0xffff, v18;
	v19 =	vmin.u32 v58, $0x5;
	v20 =	vadd.s32 v51, v59  }
0xa5: {  	(xrf0) =	vadd.scan.msk.s32 $0xffff, v19;
	vm15 =	vgt.s32 v20, $0x0  }
0xa6: {  	v20 =	vnsel vm15, $0x0, v20  }
0xa7: {  	v20 =	vmin.u32 v20, $0x5  }
0xa8: {  	(xrf0) =	vadd.scan.msk.s32 $0xffff, v20  }
0xa9: {  	v60, _, _ =	vpop (xrf0)  }
0xaa: {  	(v2sf) =	vpush v60, $0xF;
	v61, _, _ =	vpop (xrf0)  }
0xab: {  	(v2sf) =	vpush v61, $0xF;
	v62, _, _ =	vpop (xrf0)  }
0xac: {  	(v2sf) =	vpush v62, $0xF;
	_ =	sdelay $0x1  }
0xad: {  	v63, _, _ =	vpop (xrf0)  }
0xae: {  	(v2sf) =	vpush v63, $0xF;
	_ =	sdelay $0x6  }
0xaf: {  	s11 =	spop (v2sf)  }
0xb0: {  	s0 =	sadd.s32 s0, s11;
	s13 =	spop (v2sf)  }
0xb1: {  	v13 =	vsub.s32 s0, v13;
	s0 =	sadd.s32 s0, s13;
	s16 =	spop (v2sf)  }
0xb2: {  	[tilespmem:s21+$0x2710] =	vst v22;
	v14 =	vsub.s32 s0, v14;
	v13 =	vadd.s32 v15, v13;
	s0 =	sadd.s32 s0, s16;
	s18 =	spop (v2sf)  }
0xb3: {  	[tilespmem:s15+$0x2710] =	vst v13;
	v13 =	vadd.s32 v17, v14;
	v14 =	vsub.s32 s0, v16;
	s0 =	sadd.s32 s0, s18;
	s21 =	spop (v2sf)  }
0xb4: {  	[tilespmem:s25+$0x2710] =	vst v13;
	v13 =	vadd.s32 v60, v14;
	v14 =	vsub.s32 s0, v18;
	s0 =	sadd.s32 s0, s21;
	s29 =	spop (v2sf)  }
0xb5: {  	[tilespmem:s22+$0x2710] =	vst v13;
	v13 =	vadd.s32 v61, v14;
	v14 =	vsub.s32 s0, v19;
	s21 =	sadd.s32 s0, s29  }
0xb6: {  	[tilespmem:s26+$0x2710] =	vst v13;
	v13 =	vadd.s32 v62, v14;
	v14 =	vsub.s32 s21, v20  }
0xb7: {  	[tilespmem:s17+$0x2710] =	vst v13;
	v13 =	vadd.s32 v63, v14;
	s25 =	spop (v2sf)  }
0xb8: {  	s11 =	simm.s32 $0x0;
	s0 =	simm.s32 $0x40;
	[tilespmem:s28+$0x2710] =	vst v13;
	s26 =	sadd.s32 s21, s25  }
.LBB2_4:
0xb9: {  	p1 =	sne.s32 s0, $0x2380;
	[tilespmem:s11+$0x4E20] =	vst v1;
	s11 =	smov.u32 s0;
	s0 =	sadd.s32 $0x40, s0  }
.Ltmp1:
0xba: {  	(pc) =	sbr.rel @p1 .LBB2_4-.Ltmp1, $2  }
0xbb: {  	_ =	sdelay $0x2  }
0xbc: {  	s11 =	sshra.s32 s11, $0x2  }
0xbd: {  	[tilespmem:s11+$0x4E20] =	vst v1  }
0xbe: {  	_ =	strace $0x9000004A  }
0xbf: {  	s0 =	simm.s32 $0x0;
	s11 =	simm.s32 $0x200;
	_ =	strace $0x8000004B  }
.LBB2_6:
0xc0: {  	p1 =	sne.s32 s11, $0x1BE00;
	[tilespmem:s0+$0x8FC0] =	vst v2  }
0xc1: {  	[tilespmem:s0+$0x8F50] =	vst v2  }
0xc2: {  	[tilespmem:s0+$0x8F60] =	vst v2  }
.Ltmp2:
0xc3: {  	[tilespmem:s0+$0x8F70] =	vst v2;
	(pc) =	sbr.rel @p1 .LBB2_6-.Ltmp2, $4  }
0xc4: {  	[tilespmem:s0+$0x8F80] =	vst v2  }
0xc5: {  	[tilespmem:s0+$0x8F90] =	vst v2  }
0xc6: {  	[tilespmem:s0+$0x8FA0] =	vst v2  }
0xc7: {  	[tilespmem:s0+$0x8FB0] =	vst v2;
	s0 =	sshra.s32 s11, $0x2;
	s11 =	sadd.s32 $0x200, s11  }
0xc8: {  	[tilespmem:s0+$0x8FC0] =	vst v2  }
0xc9: {  	[tilespmem:s0+$0x8F50] =	vst v2  }
0xca: {  	[tilespmem:s0+$0x8F60] =	vst v2  }
0xcb: {  	[tilespmem:s0+$0x8F70] =	vst v2  }
0xcc: {  	[tilespmem:s0+$0x8F80] =	vst v2  }
0xcd: {  	[tilespmem:s0+$0x8F90] =	vst v2  }
.Ltmp3:
0xce: {  	[tilespmem:s0+$0x8FA0] =	vst v2;
	(pc) =	sbr.rel .LBB2_8-.Ltmp3, $4  }
0xcf: {  	[tilespmem:s0+$0x8FB0] =	vst v2  }
0xd0: {  	s22 =	sadd.s32 $0xFFFF3CE0, s26;
	_ =	strace $0x9000004B  }
0xd1: {  	s13 =	simm.s32 $0x0;
	s29 =	simm.s32 $0x0;
	_ =	strace $0x8000004C  }
0xd2: {  	v13 =	vmov s26;
	p1 =	slt.s32 s22, $0x1;
	p2 =	sgt.u32 s22, $0x2F;
	s28 =	rddreg [dreg:$0x14]  }
.LBB2_16:
0xd3: {  	s0 =	sadd.s32 s4, s11  }
0xd4: {  	s0 =	sadd.s32 $0x4E200, s0  }
0xd5: {  	[hbm4b:s0+s5] =	stream.linear.scatter [tilespmem:s31], [sflag:$0x3], $0x7000, $0x200038;
	[tilespmem:$0x16F50] =	vst v63  }
0xd6: {  	_ =	swait.ge [sflag:s3], $0x7000  }
0xd7: {  	[sflag:s3] =	ssyncset.done $0x0  }
0xd8: {  	[sflag:s3] =	ssyncadd.s32 $0xFFFF9000  }
.LBB2_28:
0xd9: {  	s29 =	sadd.s32 $0x1, s29  }
0xda: {  	p3 =	sne.s32 s29, $0xE  }
.Ltmp4:
0xdb: {  	_ = 	snop;
	(pc) =	sbr.rel @!p3 .LBB2_29-.Ltmp4, $2  }
0xdc: {  	_ =	sdelay $0x2  }
0xdd: {  	s13 =	sadd.s32 $0xE0, s13;
	s28 =	sadd.s32 $0xE00, s28  }
.LBB2_8:
0xde: {  	s0 =	sshll.u32 s29, $0x5  }
0xdf: {  	s18 =	sor.u32 s6, s0  }
0xe0: {  	p3 =	sgt.u32 s18, $0x1BD  }
.Ltmp5:
0xe1: {  	_ = 	snop;
	(pc) =	sbr.rel @p3 .LBB2_18-.Ltmp5, $1  }
0xe2: {  	_ =	sdelay $0x3  }
0xe3: {  	s0 =	smul.u32 $0xE0, s29  }
0xe4: {  	s17 =	smul.u32 $0x70, s18;
	s11 =	simm.s32 $0x0;
	s15 =	smov.u32 s13  }
.LBB2_10:
0xe5: {  	v14 =	vld.idx.msk [tilespmem:v4+s1+$0x0], $0xffff;
	_ =	sdelay $0x2  }
0xe6: {  	s16 =	sadd.s32 s11, s28  }
0xe7: {  	v15 =	vor.u32 s16, v3  }
0xe8: {  	vm0 =	vgt.s32 v14, v15  }
0xe9: {  	v14 =	vsel vm0, $0x0, v5  }
0xea: {  	v16 =	vor.u32 $0xFFF, v14;
	_ =	sdelay $0x4  }
0xeb: {  	v16 =	vld.idx.msk [tilespmem:v16+s1+$0x0], $0xffff;
	_ =	sdelay $0x4  }
0xec: {  	v50 =	vor.u32 $0x1000, v14;
	vm14 =	vgt.s32 v16, v15  }
0xed: {  	v14 =	vsel vm14, v14, v50  }
0xee: {  	v16 =	vor.u32 $0x7FF, v14;
	_ =	sdelay $0x4  }
0xef: {  	v16 =	vld.idx.msk [tilespmem:v16+s1+$0x0], $0xffff;
	_ =	sdelay $0x4  }
0xf0: {  	v51 =	vor.u32 $0x800, v14;
	vm15 =	vgt.s32 v16, v15  }
0xf1: {  	v14 =	vsel vm15, v14, v51  }
0xf2: {  	v16 =	vor.u32 $0x3FF, v14;
	_ =	sdelay $0x4  }
0xf3: {  	v16 =	vld.idx.msk [tilespmem:v16+s1+$0x0], $0xffff;
	_ =	sdelay $0x4  }
0xf4: {  	v52 =	vor.u32 $0x400, v14;
	vm4 =	vgt.s32 v16, v15  }
0xf5: {  	v14 =	vsel vm4, v14, v52  }
0xf6: {  	v16 =	vadd.s32 $0x1FF, v14;
	_ =	sdelay $0x4  }
0xf7: {  	v16 =	vld.idx.msk [tilespmem:v16+s1+$0x0], $0xffff;
	_ =	sdelay $0x4  }
0xf8: {  	v53 =	vadd.s32 $0x200, v14;
	vm5 =	vgt.s32 v16, v15  }
0xf9: {  	v14 =	vsel vm5, v14, v53  }
0xfa: {  	v16 =	vadd.s32 $0xFF, v14;
	_ =	sdelay $0x4  }
0xfb: {  	v16 =	vld.idx.msk [tilespmem:v16+s1+$0x0], $0xffff;
	_ =	sdelay $0x4  }
0xfc: {  	v54 =	vadd.s32 $0x100, v14;
	vm6 =	vgt.s32 v16, v15  }
0xfd: {  	v14 =	vsel vm6, v14, v54  }
0xfe: {  	v16 =	vadd.s32 $0x7F, v14;
	_ =	sdelay $0x4  }
0xff: {  	v16 =	vld.idx.msk [tilespmem:v16+s1+$0x0], $0xffff;
	_ =	sdelay $0x4  }
0x100: {  	v55 =	vadd.s32 $0x80, v14;
	vm7 =	vgt.s32 v16, v15  }
0x101: {  	v14 =	vsel vm7, v14, v55  }
0x102: {  	v16 =	vadd.s32 $0x3F, v14;
	_ =	sdelay $0x4  }
0x103: {  	v16 =	vld.idx.msk [tilespmem:v16+s1+$0x0], $0xffff;
	_ =	sdelay $0x4  }
0x104: {  	v56 =	vadd.s32 $0x40, v14;
	vm8 =	vgt.s32 v16, v15  }
0x105: {  	v14 =	vsel vm8, v14, v56  }
0x106: {  	v16 =	vadd.s32 $0x1F, v14;
	_ =	sdelay $0x4  }
0x107: {  	v16 =	vld.idx.msk [tilespmem:v16+s1+$0x0], $0xffff;
	_ =	sdelay $0x4  }
0x108: {  	v57 =	vadd.s32 $0x20, v14;
	vm9 =	vgt.s32 v16, v15  }
0x109: {  	v14 =	vsel vm9, v14, v57  }
0x10a: {  	v16 =	vadd.s32 $0xF, v14;
	_ =	sdelay $0x4  }
0x10b: {  	v16 =	vld.idx.msk [tilespmem:v16+s1+$0x0], $0xffff;
	_ =	sdelay $0x4  }
0x10c: {  	v58 =	vadd.s32 $0x10, v14;
	vm10 =	vgt.s32 v16, v15  }
0x10d: {  	v14 =	vsel vm10, v14, v58  }
0x10e: {  	v16 =	vadd.s32 $0x7, v14;
	_ =	sdelay $0x4  }
0x10f: {  	v16 =	vld.idx.msk [tilespmem:v16+s1+$0x0], $0xffff;
	_ =	sdelay $0x4  }
0x110: {  	v59 =	vadd.s32 $0x8, v14;
	vm11 =	vgt.s32 v16, v15  }
0x111: {  	v14 =	vsel vm11, v14, v59  }
0x112: {  	v16 =	vadd.s32 $0x3, v14;
	_ =	sdelay $0x4  }
0x113: {  	v16 =	vld.idx.msk [tilespmem:v16+s1+$0x0], $0xffff;
	_ =	sdelay $0x4  }
0x114: {  	v60 =	vadd.s32 $0x4, v14;
	vm12 =	vgt.s32 v16, v15  }
0x115: {  	v14 =	vsel vm12, v14, v60  }
0x116: {  	v16 =	vadd.s32 $0x1, v14;
	_ =	sdelay $0x4  }
0x117: {  	v16 =	vld.idx.msk [tilespmem:v16+s1+$0x0], $0xffff;
	_ =	sdelay $0x4  }
0x118: {  	v61 =	vadd.s32 $0x2, v14;
	vm13 =	vgt.s32 v16, v15  }
0x119: {  	v14 =	vsel vm13, v14, v61;
	_ =	sdelay $0x4  }
0x11a: {  	v16 =	vld.idx.msk [tilespmem:v14+s1+$0x0], $0xffff;
	_ =	sdelay $0x4  }
0x11b: {  	vm14 =	vgt.s32 v16, v15  }
0x11c: {  	v16 =	vsel vm14, $0xFFFFFFFF, v0  }
0x11d: {  	v14 =	vadd.s32 v16, v14;
	_ =	sdelay $0x4  }
0x11e: {  	v16 =	vld.idx.msk [tilespmem:v14+s1+$0x0], $0xffff;
	_ =	sdelay $0x3  }
0x11f: {  	v18 =	vor.u32 s15, v7;
	v17 =	vshrl.u32 v14, $0x3  }
0x120: {  	v18 =	vand.u32 v8, v18;
	v17 =	vmul.u32 $0x50, v17;
	v16 =	vsub.s32 v15, v16  }
0x121: {  	v19 =	vor.u32 s15, v9;
	v20 =	vor.u32 s15, v6;
	v16 =	vshll.u32 v16, $0x4  }
0x122: {  	v20 =	vand.u32 v11, v20;
	v62 =	vand.u32 $0x7, v14;
	v16 =	vadd.s32 v16, v17  }
0x123: {  	v63 =	vor.u32 s15, v12;
	vm15 =	vlt.s32 v15, v13;
	v15 =	vor.u32 v62, v16  }
0x124: {  	v17 =	vnsel vm15, $0x0, v15;
	v15 =	vor.u32 $0x8, v15  }
0x125: {  	p3 =	sne.s32 s11, $0x60;
	[tilespmem:v18+s8+$0x0] =	vst.idx.msk $0xffff, v17;
	v15 =	vnsel vm15, $0x0, v15  }
.Ltmp6:
0x126: {  	v14 =	vnsel vm15, $0xFFFFFFFF, v14;
	[tilespmem:v19+s8+$0x0] =	vst.idx.msk $0xffff, v15;
	v15 =	vadd.s32 s16, v10;
	(pc) =	sbr.rel @p3 .LBB2_10-.Ltmp6, $4  }
0x127: {  	v15 =	vnsel vm15, $0xFFFFFFFF, v15;
	[tilespmem:v20+s9+$0x0] =	vst.idx.msk $0xffff, v14  }
0x128: {  	[tilespmem:v63+s9+$0x0] =	vst.idx.msk $0xffff, v15  }
0x129: {  	[tilespmem:v20+s10+$0x0] =	vst.idx.msk $0xffff, v15  }
0x12a: {  	s15 =	sadd.s32 $0x20, s15;
	s11 =	sadd.s32 $0x10, s11;
	[tilespmem:v63+s10+$0x0] =	vst.idx.msk $0xffff, v14  }
0x12b: {  	s11 =	smul.u32 $0xE0, s18;
	_ =	sdelay $0x1  }
0x12c: {  	s11 =	sshrl.u32 s11, $0x3  }
0x12d: {  	s11 =	sadd.s32 s7, s11  }
0x12e: {  	s16 =	sadd.s32 $0x6350, s0;
	s15 =	sadd.s32 $0x4E20, s11  }
0x12f: {  	[hbm4b:s15+s5] =	stream.linear.scatter [tilespmem:s16], [sflag:$0x2], $0xE0, $0x200038;
	[tilespmem:$0x16F50] =	vst v63  }
0x130: {  	s15 =	ssub.s32 s26, s17  }
0x131: {  	p3 =	slt.s32 s15, $0x1  }
.Ltmp7:
0x132: {  	_ = 	snop;
	(pc) =	sbr.rel @p3 .LBB2_17-.Ltmp7, $4  }
0x133: {  	_ = 	snop  }
0x134: {  	s18 =	smul.u32 $0x7000, s18;
	s11 =	sadd.s32 $0xCD14, s11;
	s16 =	sadd.s32 $0x6F90, s0  }
0x135: {  	[hbm4b:s11+s5] =	stream.linear.scatter [tilespmem:s16], [sflag:$0x2], $0xE0, $0x200038;
	[tilespmem:$0x16F50] =	vst v63  }
0x136: {  	s11 =	sshrl.u32 s18, $0x3  }
0x137: {  	s16 =	sadd.s32 $0x5710, s0  }
0x138: {  	[tilespmem:s31], [sflag:$0x1] =	stream.indirect.gather [hbm4b:s2+s12], $0x80, s16, s12, $0x2000b8;
	[tilespmem:$0x16F50] =	vst v63  }
0x139: {  	s18 =	simm.s32 $0x13750;
	s16 =	sadd.s32 $0x5780, s0  }
0x13a: {  	[tilespmem:s18], [sflag:$0x1] =	stream.indirect.gather [hbm4b:s2+s12], $0x80, s16, s12, $0x2000b8;
	[tilespmem:$0x16F50] =	vst v63  }
0x13b: {  	p3 =	sgt.u32 s15, $0x6F;
	_ =	swait.ge [sflag:s14], $0x3800  }
.Ltmp8:
0x13c: {  	[sflag:s14] =	ssyncset.done $0x0;
	(pc) =	sbr.rel @p3 .LBB2_16-.Ltmp8, $4  }
0x13d: {  	[sflag:s14] =	ssyncadd.s32 $0xFFFFC800  }
0x13e: {  	_ =	swait.ge [sflag:s14], $0x3800  }
0x13f: {  	[sflag:s14] =	ssyncset.done $0x0  }
0x140: {  	[sflag:s14] =	ssyncadd.s32 $0xFFFFC800  }
0x141: {  	s0 =	simm.s32 $0x0  }
0x142: {  	s15 =	simm.s32 $0x0;
	s0 =	sand.u32 $0x78, s0  }
0x143: {  	s15 =	sand.u32 $0x7, s15;
	s0 =	sadd.s32 s17, s0  }
0x144: {  	s0 =	sor.u32 s15, s0  }
0x145: {  	p3 =	slt.s32 s0, s26  }
0x146: {  	s0 =	simm.s32 $0xFF90;
	v14 =	vimm.f32 @!p3 $0.0e+00;
	p3 =	por p3, p3  }
0x147: {  	[tilespmem:s0+$0x30] =	vst @!p3 v14  }
0x148: {  	s15 =	simm.s32 $0x1;
	[tilespmem:s0+$0xFFFFFFC0] =	vst @!p3 v14  }
.LBB2_14:
0x149: {  	s16 =	sshrl.u32 s15, $0x1;
	[tilespmem:s0+$0xFFFFFFD0] =	vst @!p3 v14;
	s18 =	smov.u32 s15;
	s15 =	sadd.s32 $0x1, s15  }
0x14a: {  	s16 =	sand.u32 $0x78, s16;
	p4 =	sne.s32 s15, $0xE0;
	[tilespmem:s0+$0xFFFFFFE0] =	vst @!p3 v14  }
0x14b: {  	s18 =	sand.u32 $0x7, s18;
	s16 =	sadd.s32 s17, s16;
	[tilespmem:s0+$0xFFFFFFF0] =	vst @!p3 v14  }
.Ltmp9:
0x14c: {  	s16 =	sor.u32 s18, s16;
	[tilespmem:s0+$0x0] =	vst @!p3 v14;
	(pc) =	sbr.rel @p4 .LBB2_14-.Ltmp9, $4  }
0x14d: {  	p5 =	slt.s32 s16, s26;
	[tilespmem:s0+$0x10] =	vst @!p3 v14  }
0x14e: {  	[tilespmem:s0+$0x20] =	vst @!p3 v14;
	v14 =	vimm.f32 @!p5 $0.0e+00;
	s0 =	sadd.s32 $0x80, s0;
	p3 =	por p5, p5  }
0x14f: {  	[tilespmem:s0+$0x30] =	vst @!p3 v14  }
0x150: {  	[tilespmem:s0+$0xFFFFFFC0] =	vst @!p3 v14  }
0x151: {  	[tilespmem:s0+$0xFFFFFFD0] =	vst @!p3 v14  }
.Ltmp10:
0x152: {  	[tilespmem:s0+$0xFFFFFFE0] =	vst @!p3 v14;
	(pc) =	sbr.rel .LBB2_16-.Ltmp10, $4  }
0x153: {  	[tilespmem:s0+$0xFFFFFFF0] =	vst @!p3 v14  }
0x154: {  	[tilespmem:s0+$0x0] =	vst @!p3 v14  }
0x155: {  	[tilespmem:s0+$0x10] =	vst @!p3 v14  }
0x156: {  	[tilespmem:s0+$0x20] =	vst @!p3 v14  }
.LBB2_18:
0x157: {  	p3 =	sne.s32 s18, $0x1BE  }
.Ltmp11:
0x158: {  	_ = 	snop;
	(pc) =	sbr.rel @p3 .LBB2_28-.Ltmp11, $1  }
0x159: {  	_ =	sdelay $0x3  }
0x15a: {  	s0 =	smul.u32 $0xE0, s29;
	s11 =	simm.s32 $0xC320;
	s15 =	smov.u32 s13  }
.LBB2_20:
0x15b: {  	v14 =	vld.idx.msk [tilespmem:v4+s1+$0x0], $0xffff;
	_ =	sdelay $0x3  }
0x15c: {  	v15 =	vor.u32 s11, v3  }
0x15d: {  	vm0 =	vgt.s32 v14, v15  }
0x15e: {  	v14 =	vsel vm0, $0x0, v5  }
0x15f: {  	v16 =	vor.u32 $0xFFF, v14;
	_ =	sdelay $0x4  }
0x160: {  	v16 =	vld.idx.msk [tilespmem:v16+s1+$0x0], $0xffff;
	_ =	sdelay $0x4  }
0x161: {  	v50 =	vor.u32 $0x1000, v14;
	vm14 =	vgt.s32 v16, v15  }
0x162: {  	v14 =	vsel vm14, v14, v50  }
0x163: {  	v16 =	vor.u32 $0x7FF, v14;
	_ =	sdelay $0x4  }
0x164: {  	v16 =	vld.idx.msk [tilespmem:v16+s1+$0x0], $0xffff;
	_ =	sdelay $0x4  }
0x165: {  	v51 =	vor.u32 $0x800, v14;
	vm15 =	vgt.s32 v16, v15  }
0x166: {  	v14 =	vsel vm15, v14, v51  }
0x167: {  	v16 =	vor.u32 $0x3FF, v14;
	_ =	sdelay $0x4  }
0x168: {  	v16 =	vld.idx.msk [tilespmem:v16+s1+$0x0], $0xffff;
	_ =	sdelay $0x4  }
0x169: {  	v52 =	vor.u32 $0x400, v14;
	vm4 =	vgt.s32 v16, v15  }
0x16a: {  	v14 =	vsel vm4, v14, v52  }
0x16b: {  	v16 =	vadd.s32 $0x1FF, v14;
	_ =	sdelay $0x4  }
0x16c: {  	v16 =	vld.idx.msk [tilespmem:v16+s1+$0x0], $0xffff;
	_ =	sdelay $0x4  }
0x16d: {  	v53 =	vadd.s32 $0x200, v14;
	vm5 =	vgt.s32 v16, v15  }
0x16e: {  	v14 =	vsel vm5, v14, v53  }
0x16f: {  	v16 =	vadd.s32 $0xFF, v14;
	_ =	sdelay $0x4  }
0x170: {  	v16 =	vld.idx.msk [tilespmem:v16+s1+$0x0], $0xffff;
	_ =	sdelay $0x4  }
0x171: {  	v54 =	vadd.s32 $0x100, v14;
	vm6 =	vgt.s32 v16, v15  }
0x172: {  	v14 =	vsel vm6, v14, v54  }
0x173: {  	v16 =	vadd.s32 $0x7F, v14;
	_ =	sdelay $0x4  }
0x174: {  	v16 =	vld.idx.msk [tilespmem:v16+s1+$0x0], $0xffff;
	_ =	sdelay $0x4  }
0x175: {  	v55 =	vadd.s32 $0x80, v14;
	vm7 =	vgt.s32 v16, v15  }
0x176: {  	v14 =	vsel vm7, v14, v55  }
0x177: {  	v16 =	vadd.s32 $0x3F, v14;
	_ =	sdelay $0x4  }
0x178: {  	v16 =	vld.idx.msk [tilespmem:v16+s1+$0x0], $0xffff;
	_ =	sdelay $0x4  }
0x179: {  	v56 =	vadd.s32 $0x40, v14;
	vm8 =	vgt.s32 v16, v15  }
0x17a: {  	v14 =	vsel vm8, v14, v56  }
0x17b: {  	v16 =	vadd.s32 $0x1F, v14;
	_ =	sdelay $0x4  }
0x17c: {  	v16 =	vld.idx.msk [tilespmem:v16+s1+$0x0], $0xffff;
	_ =	sdelay $0x4  }
0x17d: {  	v57 =	vadd.s32 $0x20, v14;
	vm9 =	vgt.s32 v16, v15  }
0x17e: {  	v14 =	vsel vm9, v14, v57  }
0x17f: {  	v16 =	vadd.s32 $0xF, v14;
	_ =	sdelay $0x4  }
0x180: {  	v16 =	vld.idx.msk [tilespmem:v16+s1+$0x0], $0xffff;
	_ =	sdelay $0x4  }
0x181: {  	v58 =	vadd.s32 $0x10, v14;
	vm10 =	vgt.s32 v16, v15  }
0x182: {  	v14 =	vsel vm10, v14, v58  }
0x183: {  	v16 =	vadd.s32 $0x7, v14;
	_ =	sdelay $0x4  }
0x184: {  	v16 =	vld.idx.msk [tilespmem:v16+s1+$0x0], $0xffff;
	_ =	sdelay $0x4  }
0x185: {  	v59 =	vadd.s32 $0x8, v14;
	vm11 =	vgt.s32 v16, v15  }
0x186: {  	v14 =	vsel vm11, v14, v59  }
0x187: {  	v16 =	vadd.s32 $0x3, v14;
	_ =	sdelay $0x4  }
0x188: {  	v16 =	vld.idx.msk [tilespmem:v16+s1+$0x0], $0xffff;
	_ =	sdelay $0x4  }
0x189: {  	v60 =	vadd.s32 $0x4, v14;
	vm12 =	vgt.s32 v16, v15  }
0x18a: {  	v14 =	vsel vm12, v14, v60  }
0x18b: {  	v16 =	vadd.s32 $0x1, v14;
	_ =	sdelay $0x4  }
0x18c: {  	v16 =	vld.idx.msk [tilespmem:v16+s1+$0x0], $0xffff;
	_ =	sdelay $0x4  }
0x18d: {  	v61 =	vadd.s32 $0x2, v14;
	vm13 =	vgt.s32 v16, v15  }
0x18e: {  	v14 =	vsel vm13, v14, v61;
	_ =	sdelay $0x4  }
0x18f: {  	v16 =	vld.idx.msk [tilespmem:v14+s1+$0x0], $0xffff;
	_ =	sdelay $0x4  }
0x190: {  	vm14 =	vgt.s32 v16, v15  }
0x191: {  	v16 =	vsel vm14, $0xFFFFFFFF, v0  }
0x192: {  	v14 =	vadd.s32 v16, v14;
	_ =	sdelay $0x4  }
0x193: {  	v16 =	vld.idx.msk [tilespmem:v14+s1+$0x0], $0xffff;
	_ =	sdelay $0x3  }
0x194: {  	v18 =	vor.u32 s15, v7;
	v17 =	vshrl.u32 v14, $0x3  }
0x195: {  	v18 =	vand.u32 v8, v18;
	v17 =	vmul.u32 $0x50, v17;
	v16 =	vsub.s32 v15, v16  }
0x196: {  	v19 =	vor.u32 s15, v9;
	v20 =	vor.u32 s15, v6;
	v16 =	vshll.u32 v16, $0x4  }
0x197: {  	v20 =	vand.u32 v11, v20;
	v62 =	vand.u32 $0x7, v14;
	v16 =	vadd.s32 v16, v17  }
0x198: {  	v63 =	vor.u32 s15, v12;
	vm15 =	vlt.s32 v15, v13;
	v15 =	vor.u32 v62, v16  }
0x199: {  	v17 =	vnsel vm15, $0x0, v15;
	v15 =	vor.u32 $0x8, v15  }
0x19a: {  	p3 =	sne.s32 s11, $0xC340;
	[tilespmem:v18+s8+$0x0] =	vst.idx.msk $0xffff, v17;
	v15 =	vnsel vm15, $0x0, v15  }
.Ltmp12:
0x19b: {  	v14 =	vnsel vm15, $0xFFFFFFFF, v14;
	[tilespmem:v19+s8+$0x0] =	vst.idx.msk $0xffff, v15;
	v15 =	vadd.s32 s11, v10;
	(pc) =	sbr.rel @p3 .LBB2_20-.Ltmp12, $4  }
0x19c: {  	v15 =	vnsel vm15, $0xFFFFFFFF, v15;
	[tilespmem:v20+s9+$0x0] =	vst.idx.msk $0xffff, v14  }
0x19d: {  	[tilespmem:v63+s9+$0x0] =	vst.idx.msk $0xffff, v15  }
0x19e: {  	[tilespmem:v20+s10+$0x0] =	vst.idx.msk $0xffff, v15  }
0x19f: {  	s15 =	sadd.s32 $0x20, s15;
	s11 =	sadd.s32 $0x10, s11;
	[tilespmem:v63+s10+$0x0] =	vst.idx.msk $0xffff, v14  }
.Ltmp13:
0x1a0: {  	(pc) =	sbr.rel @p1 .LBB2_27-.Ltmp13, $4  }
0x1a1: {  	s11 =	sadd.s32 $0x6350, s0  }
0x1a2: {  	[hbm4b:s23+s5] =	stream.linear.scatter [tilespmem:s11], [sflag:$0x2], $0x60, $0x200038;
	[tilespmem:$0x16F50] =	vst v63  }
0x1a3: {  	s18 =	sadd.s32 $0x6F90, s0  }
0x1a4: {  	[hbm4b:s24+s5] =	stream.linear.scatter [tilespmem:s18], [sflag:$0x2], $0x60, $0x200038;
	[tilespmem:$0x16F50] =	vst v63  }
0x1a5: {  	s11 =	sadd.s32 $0x5710, s0;
	s15 =	simm.s32 $0x30  }
0x1a6: {  	[tilespmem:s31], [sflag:$0x1] =	stream.indirect.gather [hbm4b:s2+s15], $0x80, s11, s15, $0x2000b8;
	[tilespmem:$0x16F50] =	vst v63  }
0x1a7: {  	s17 =	sadd.s32 $0x5740, s0;
	s18 =	simm.s32 $0x11750  }
0x1a8: {  	[tilespmem:s18], [sflag:$0x1] =	stream.indirect.gather [hbm4b:s2+s15], $0x80, s17, s15, $0x2000b8;
	[tilespmem:$0x16F50] =	vst v63  }
0x1a9: {  	_ =	swait.ge [sflag:s14], $0x1800  }
.Ltmp14:
0x1aa: {  	[sflag:s14] =	ssyncset.done $0x0;
	(pc) =	sbr.rel @p2 .LBB2_26-.Ltmp14, $4  }
0x1ab: {  	[sflag:s14] =	ssyncadd.s32 $0xFFFFE800  }
0x1ac: {  	_ =	swait.ge [sflag:s14], $0x1800  }
0x1ad: {  	[sflag:s14] =	ssyncset.done $0x0  }
0x1ae: {  	[sflag:s14] =	ssyncadd.s32 $0xFFFFE800  }
0x1af: {  	s0 =	simm.s32 $0x0;
	s11 =	simm.s32 $0x0  }
0x1b0: {  	s11 =	sand.u32 $0x38, s11;
	s0 =	sand.u32 $0x7, s0  }
0x1b1: {  	s0 =	sor.u32 s0, s11  }
0x1b2: {  	s0 =	sadd.s32 $0xC320, s0  }
0x1b3: {  	p3 =	slt.s32 s0, s26  }
0x1b4: {  	s0 =	simm.s32 $0xFF90;
	v14 =	vimm.f32 @!p3 $0.0e+00;
	p3 =	por p3, p3  }
0x1b5: {  	[tilespmem:s0+$0x30] =	vst @!p3 v14  }
0x1b6: {  	s11 =	simm.s32 $0x1;
	[tilespmem:s0+$0xFFFFFFC0] =	vst @!p3 v14  }
.LBB2_24:
0x1b7: {  	s15 =	sshrl.u32 s11, $0x1;
	[tilespmem:s0+$0xFFFFFFD0] =	vst @!p3 v14;
	s16 =	smov.u32 s11;
	s11 =	sadd.s32 $0x1, s11  }
0x1b8: {  	s15 =	sand.u32 $0x38, s15;
	s16 =	sand.u32 $0x7, s16;
	p4 =	sne.s32 s11, $0x60;
	[tilespmem:s0+$0xFFFFFFE0] =	vst @!p3 v14  }
0x1b9: {  	s15 =	sor.u32 s16, s15;
	[tilespmem:s0+$0xFFFFFFF0] =	vst @!p3 v14  }
.Ltmp15:
0x1ba: {  	s15 =	sadd.s32 $0xC320, s15;
	[tilespmem:s0+$0x0] =	vst @!p3 v14;
	(pc) =	sbr.rel @p4 .LBB2_24-.Ltmp15, $4  }
0x1bb: {  	p5 =	slt.s32 s15, s26;
	[tilespmem:s0+$0x10] =	vst @!p3 v14  }
0x1bc: {  	[tilespmem:s0+$0x20] =	vst @!p3 v14;
	v14 =	vimm.f32 @!p5 $0.0e+00;
	s0 =	sadd.s32 $0x80, s0;
	p3 =	por p5, p5  }
0x1bd: {  	[tilespmem:s0+$0x30] =	vst @!p3 v14  }
0x1be: {  	[tilespmem:s0+$0xFFFFFFC0] =	vst @!p3 v14  }
0x1bf: {  	[tilespmem:s0+$0xFFFFFFD0] =	vst @!p3 v14  }
0x1c0: {  	[tilespmem:s0+$0xFFFFFFE0] =	vst @!p3 v14  }
0x1c1: {  	[tilespmem:s0+$0xFFFFFFF0] =	vst @!p3 v14  }
0x1c2: {  	[tilespmem:s0+$0x0] =	vst @!p3 v14  }
0x1c3: {  	[tilespmem:s0+$0x10] =	vst @!p3 v14  }
0x1c4: {  	[tilespmem:s0+$0x20] =	vst @!p3 v14  }
.LBB2_26:
.Ltmp16:
0x1c5: {  	(pc) =	sbr.rel .LBB2_28-.Ltmp16, $4  }
0x1c6: {  	[hbm4b:s30+s5] =	stream.linear.scatter [tilespmem:s31], [sflag:$0x4], $0x3000, $0x200038;
	[tilespmem:$0x16F50] =	vst v63  }
0x1c7: {  	_ =	swait.ge [sflag:s19], $0x3000  }
0x1c8: {  	[sflag:s19] =	ssyncset.done $0x0  }
0x1c9: {  	[sflag:s19] =	ssyncadd.s32 $0xFFFFD000  }
.LBB2_17:
.Ltmp17:
0x1ca: {  	(pc) =	sbr.rel .LBB2_28-.Ltmp17, $4  }
0x1cb: {  	_ = 	snop  }
0x1cc: {  	s0 =	sadd.s32 s4, s11  }
0x1cd: {  	s18 =	simm.s32 $0x8F50;
	s0 =	sadd.s32 $0x4E200, s0  }
0x1ce: {  	[hbm4b:s0+s5] =	stream.linear.scatter [tilespmem:s18], [sflag:$0x2], $0x7000, $0x200038;
	[tilespmem:$0x16F50] =	vst v63  }
.LBB2_27:
.Ltmp18:
0x1cf: {  	(pc) =	sbr.rel .LBB2_28-.Ltmp18, $3  }
0x1d0: {  	_ =	sdelay $0x1  }
0x1d1: {  	s0 =	simm.s32 $0x8F50  }
0x1d2: {  	[hbm4b:s30+s5] =	stream.linear.scatter [tilespmem:s0], [sflag:$0x2], $0x3000, $0x200038;
	[tilespmem:$0x16F50] =	vst v63  }
.LBB2_29:
0x1d3: {  	p2 =	sgt.u32 s6, $0x1BD  }
0x1d4: {  	p1 =	sne.s32 @p2 s6, $0x1BE  }
0x1d5: {  	_ =	strace $0x9000004C;
	p3 =	por p1, !p2  }
0x1d6: {  	_ =	strace $0x8000004D;
	s0 =	simm.s32 @!p3 $0x2  }
0x1d7: {  	_ =	swait.ge @!p3 [sflag:s0], $0x60  }
0x1d8: {  	[sflag:s0] =	ssyncset.done @!p3 $0x0  }
0x1d9: {  	p4 =	sgt.s32 @!p3 s22, $0x0;
	[sflag:s0] =	ssyncadd.s32 @!p3 $0xFFFFFFA0  }
0x1da: {  	p1 =	por @p2 p4, p1;
	_ =	swait.ge @!p3 [sflag:s0], $0x60  }
0x1db: {  	p1 =	por p1, !p2;
	[sflag:s0] =	ssyncset.done @!p3 $0x0  }
0x1dc: {  	[sflag:s0] =	ssyncadd.s32 @!p3 $0xFFFFFFA0;
	s0 =	simm.s32 @!p1 $0x2  }
0x1dd: {  	_ =	swait.ge @!p1 [sflag:s0], $0x3000  }
0x1de: {  	[sflag:s0] =	ssyncset.done @!p1 $0x0;
	s11 =	rddreg [dreg:$0x15]  }
0x1df: {  	s15 =	simm.s32 @!p2 $0x2;
	s11 =	sadd.s32 s25, s11;
	[sflag:s0] =	ssyncadd.s32 @!p1 $0xFFFFD000  }
0x1e0: {  	s0 =	sadd.s32 s21, s11;
	_ =	swait.ge @!p2 [sflag:s15], $0xE0  }
0x1e1: {  	s11 =	sadd.s32 @!p2 $0xC400, s0;
	[sflag:s15] =	ssyncset.done @!p2 $0x0  }
0x1e2: {  	s13 =	sadd.s32 @!p2 $0xFFFF3C00, s11;
	[sflag:s15] =	ssyncadd.s32 @!p2 $0xFFFFFF20  }
0x1e3: {  	s11 =	simm.s32 $0xA800;
	_ =	swait.ge @!p2 [sflag:s15], $0xE0;
	p1 =	sgt.s32 @!p2 s13, $0x0  }
0x1e4: {  	s13 =	sadd.s32 $0x20, s6;
	[sflag:s15] =	ssyncset.done @!p2 $0x0;
	p5 =	por p1, p2  }
0x1e5: {  	p1 =	sgt.u32 s13, $0x1BD;
	[sflag:s15] =	ssyncadd.s32 @!p2 $0xFFFFFF20;
	s16 =	simm.s32 @!p5 $0x2  }
0x1e6: {  	p4 =	sne.s32 @p1 s13, $0x1BE;
	s15 =	sadd.s32 @!p1 $0xB600, s0;
	_ =	swait.ge @!p5 [sflag:s16], $0x7000  }
0x1e7: {  	p3 =	por p4, !p1;
	s15 =	sadd.s32 @!p1 $0xFFFF3C00, s15;
	[sflag:s16] =	ssyncset.done @!p5 $0x0  }
.LBB2_30:
0x1e8: {  	s17 =	simm.s32 @!p3 $0x2  }
0x1e9: {  	[sflag:s16] =	ssyncadd.s32 @!p5 $0xFFFF9000;
	s18 =	smov.u32 s11;
	s11 =	sadd.s32 $0xFFFFF200, s11  }
0x1ea: {  	p2 =	sne.s32 s11, $0x0;
	_ =	swait.ge @!p3 [sflag:s17], $0x60  }
0x1eb: {  	[sflag:s17] =	ssyncset.done @!p3 $0x0  }
0x1ec: {  	p5 =	sgt.s32 @!p3 s22, $0x0;
	[sflag:s17] =	ssyncadd.s32 @!p3 $0xFFFFFFA0  }
0x1ed: {  	p4 =	por @p1 p5, p4;
	_ =	swait.ge @!p3 [sflag:s17], $0x60  }
0x1ee: {  	p4 =	por p4, !p1;
	[sflag:s17] =	ssyncset.done @!p3 $0x0  }
0x1ef: {  	s16 =	simm.s32 @!p4 $0x2;
	[sflag:s17] =	ssyncadd.s32 @!p3 $0xFFFFFFA0  }
0x1f0: {  	_ =	swait.ge @!p4 [sflag:s16], $0x3000  }
0x1f1: {  	[sflag:s16] =	ssyncset.done @!p4 $0x0  }
0x1f2: {  	[sflag:s16] =	ssyncadd.s32 @!p4 $0xFFFFD000;
	s16 =	simm.s32 @!p1 $0x2  }
0x1f3: {  	_ =	swait.ge @!p1 [sflag:s16], $0xE0  }
0x1f4: {  	[sflag:s16] =	ssyncset.done @!p1 $0x0  }
0x1f5: {  	[sflag:s16] =	ssyncadd.s32 @!p1 $0xFFFFFF20  }
.Ltmp19:
0x1f6: {  	p3 =	sgt.s32 @!p1 s15, $0x0;
	_ =	swait.ge @!p1 [sflag:s16], $0xE0;
	(pc) =	sbr.rel @p2 .LBB2_30-.Ltmp19, $4  }
0x1f7: {  	s13 =	sadd.s32 $0x20, s13;
	p5 =	por p3, p1;
	[sflag:s16] =	ssyncset.done @!p1 $0x0  }
0x1f8: {  	[sflag:s16] =	ssyncadd.s32 @!p1 $0xFFFFFF20;
	p1 =	sgt.u32 s13, $0x1BD;
	s16 =	simm.s32 @!p5 $0x2  }
0x1f9: {  	p4 =	sne.s32 @p1 s13, $0x1BE;
	s15 =	sadd.s32 @!p1 s18, s0;
	_ =	swait.ge @!p5 [sflag:s16], $0x7000  }
0x1fa: {  	p3 =	por p4, !p1;
	s15 =	sadd.s32 @!p1 $0xFFFF3C00, s15;
	[sflag:s16] =	ssyncset.done @!p5 $0x0  }
0x1fb: {  	s0 =	simm.s32 @!p3 $0x2;
	[sflag:s16] =	ssyncadd.s32 @!p5 $0xFFFF9000  }
0x1fc: {  	_ =	swait.ge @!p3 [sflag:s0], $0x60  }
0x1fd: {  	[sflag:s0] =	ssyncset.done @!p3 $0x0  }
0x1fe: {  	p2 =	sgt.s32 @!p3 s22, $0x0;
	[sflag:s0] =	ssyncadd.s32 @!p3 $0xFFFFFFA0  }
0x1ff: {  	p2 =	por @p1 p2, p4;
	_ =	swait.ge @!p3 [sflag:s0], $0x60  }
0x200: {  	p2 =	por p2, !p1;
	[sflag:s0] =	ssyncset.done @!p3 $0x0  }
0x201: {  	[sflag:s0] =	ssyncadd.s32 @!p3 $0xFFFFFFA0;
	s0 =	simm.s32 @!p2 $0x2  }
0x202: {  	_ =	swait.ge @!p2 [sflag:s0], $0x3000  }
0x203: {  	[sflag:s0] =	ssyncset.done @!p2 $0x0  }
0x204: {  	[sflag:s0] =	ssyncadd.s32 @!p2 $0xFFFFD000;
	s0 =	simm.s32 @!p1 $0x2  }
0x205: {  	_ =	swait.ge @!p1 [sflag:s0], $0xE0  }
0x206: {  	[sflag:s0] =	ssyncset.done @!p1 $0x0  }
0x207: {  	[sflag:s0] =	ssyncadd.s32 @!p1 $0xFFFFFF20  }
0x208: {  	p2 =	sgt.s32 @!p1 s15, $0x0;
	_ =	swait.ge @!p1 [sflag:s0], $0xE0  }
0x209: {  	p2 =	por p2, p1;
	[sflag:s0] =	ssyncset.done @!p1 $0x0  }
0x20a: {  	[sflag:s0] =	ssyncadd.s32 @!p1 $0xFFFFFF20;
	s0 =	simm.s32 @!p2 $0x2  }
0x20b: {  	_ =	swait.ge @!p2 [sflag:s0], $0x7000  }
0x20c: {  	s20 =	sadd.s32 $0x1, s20;
	s29 =	rddreg [dreg:$0x16]  }
0x20d: {  	p1 =	sne.s32 s20, s29  }
.Ltmp20:
0x20e: {  	_ = 	snop;
	(pc) =	sbr.rel @p1 .LBB2_1-.Ltmp20, $4  }
0x20f: {  	_ = 	snop  }
0x210: {  	[sflag:s0] =	ssyncset.done @!p2 $0x0  }
0x211: {  	[sflag:s0] =	ssyncadd.s32 @!p2 $0xFFFF9000  }
0x212: {  	_ =	strace $0x9000004D  }
0x213: {  	_ =	sfence.sel $0x180000  }
0x214: {  	[bflag:$0x0] =	sbarrier.arrive $0xFFFF  }
0x215: {  	_ =	strace $0x90000047  }
0x216: {  	s0 =	stileid.u32;
	[bflag:$0x2] =	sbarrier.arrive $0xFFFF  }
0x217: {  	p0 =	sne.s32 s0, $0x0;
	s0 =	rddreg [dreg:$0x6]  }
0x218: {  	s0 =	sadd.s32 @!p0 $0x100000, s0  }
0x219: {  	[sflag:s0] =	ssyncadd.tile.s32 @!p0 $0x1;
	_ =	shalt  }
.Lfunc_end2:
_tile_overlayer_lowered:
.L_overlay_start_2:
0x21a: {  	(tag) =	ssettag $0x2  }
0x21b: {  	s0 =	rddreg [dreg:$0x0];
	s2 =	stileid.u32  }
0x21c: {  	s1 =	rddreg [dreg:$0x1];
	p0 =	sne.s32 s2, $0x0  }
0x21d: {  	s3 =	rddreg [dreg:$0x2];
	[bflag:$0x3] =	sbarrier.arrive $0xFFFF;
	s2 =	simm.s32 @!p0 $0x1C03  }
0x21e: {  	[timem:s3], [sflag:s2] =	dma.local @!p0 [hbm:s0], s1  }
0x21f: {  	s0 =	simm.s32 @!p0 $0x3  }
0x220: {  	_ =	swait.ge @!p0 [sflag:s0], s1  }
0x221: {  	s1 =	ssub.s32 @!p0 $0x0, s1;
	[sflag:s0] =	ssyncset.done @!p0 $0x0  }
0x222: {  	[sflag:s0] =	ssyncadd.s32 @!p0 s1  }
0x223: {  	[bflag:$0x3] =	sbarrier.arrive $0xFFFF  }
0x224: {  	_ =	shalt  }

</sc_bundles>
